<compile_context>
chip_gen: v7x
topology: tpu7x:2x2x1
jax: 0.10.2.dev20260603
libtpu: 0.0.44.dev20260713+nightly
codegen_flags: <defaults>
</compile_context>

<pallas_src>
import functools
import math

import numpy as np
import jax
import jax.numpy as jnp
from jax import lax
from jax.experimental import pallas as pl
from jax.experimental.pallas import tpu as pltpu
from jax.experimental.pallas import tpu_sc as plsc

L = 4096
D = 768
B = 2
NF = 2304
KTOP = 16
NCH = B * D
NW = 32
CHW = NCH // NW

_DN = (((0,), (0,)), ((), ()))


def _split_bf16(x):
    hi = x.astype(jnp.bfloat16)
    lo = (x - hi.astype(jnp.float32)).astype(jnp.bfloat16)
    return hi, lo


def _dot3(xh, xl, mh, ml, dn):
    acc = lax.dot_general(xh, mh, dn, preferred_element_type=jnp.float32)
    acc += lax.dot_general(xh, ml, dn, preferred_element_type=jnp.float32)
    acc += lax.dot_general(xl, mh, dn, preferred_element_type=jnp.float32)
    return acc


def _dft_tables():
    n = np.arange(L, dtype=np.int64)
    f = np.arange(NF, dtype=np.int64)
    ang = 2.0 * np.pi * ((n[:, None] * f[None, :]) % L).astype(np.float64) / L
    valid = (f < L // 2 + 1)[None, :]
    cct = np.where(valid, np.cos(ang), 0.0).astype(np.float32)
    cst = np.where(valid, np.sin(ang), 0.0).astype(np.float32)
    ang2 = 2.0 * np.pi * ((f[:, None] * n[None, :]) % L).astype(np.float64) / L
    alpha = np.where((f == 0) | (f == L // 2), 1.0, 2.0) / L
    alpha = np.where(f < L // 2 + 1, alpha, 0.0)[:, None]
    ic = (alpha * np.cos(ang2)).astype(np.float32)
    isn = (-alpha * np.sin(ang2)).astype(np.float32)
    return cct, cst, ic, isn


def _np_split(x):
    import ml_dtypes
    hi = x.astype(ml_dtypes.bfloat16)
    lo = (x - hi.astype(np.float32)).astype(ml_dtypes.bfloat16)
    return hi, lo


_CCT, _CST, _IC, _IS = _dft_tables()
_CCH, _CCL = _np_split(_CCT)
_CSH, _CSL = _np_split(_CST)
_ICH, _ICL = _np_split(_IC)
_ISH, _ISL = _np_split(_IS)

DB = 128
FB = 256
LB = 256
CB = 256


def _corr_fwd(q_ref, k_ref, cch_ref, ccl_ref, csh_ref, csl_ref, pr_ref, pi_ref):
    qh, ql = _split_bf16(q_ref[0])
    kh, kl = _split_bf16(k_ref[0])
    cch, ccl = cch_ref[...], ccl_ref[...]
    csh, csl = csh_ref[...], csl_ref[...]
    qc = _dot3(qh, ql, cch, ccl, _DN)
    qs = _dot3(qh, ql, csh, csl, _DN)
    kc = _dot3(kh, kl, cch, ccl, _DN)
    ks = _dot3(kh, kl, csh, csl, _DN)
    pr_ref[0] = qc * kc + qs * ks
    pi_ref[0] = qc * ks - qs * kc


def _corr_inv(pr_ref, pi_ref, ich_ref, icl_ref, ish_ref, isl_ref, rxx_ref):
    prh, prl = _split_bf16(pr_ref[0])
    pih, pil = _split_bf16(pi_ref[0])
    dn = (((1,), (0,)), ((), ()))
    rxx = _dot3(prh, prl, ich_ref[...], icl_ref[...], dn)
    rxx += _dot3(pih, pil, ish_ref[...], isl_ref[...], dn)
    rxx_ref[0] = rxx


def _topk(rxx_ref, w_ref, i_ref):
    x = rxx_ref[0]
    cols = lax.broadcasted_iota(jnp.int32, (CB, L), 1)
    neg = jnp.float32(-3.0e38)
    vals, idxs = [], []
    for _ in range(KTOP):
        m = jnp.max(x, axis=1, keepdims=True)
        idx = jnp.min(jnp.where(x == m, cols, L), axis=1, keepdims=True)
        vals.append(m)
        idxs.append(idx)
        x = jnp.where(cols == idx, neg, x)
    v = jnp.concatenate(vals, axis=1)
    ii = jnp.concatenate(idxs, axis=1)
    e = jnp.exp(v - v[:, 0:1])
    w_ref[0] = e / jnp.sum(e, axis=1, keepdims=True)
    i_ref[0] = ii


def _roll_sum(vt_hbm, w_hbm, i_hbm, out_hbm, vext, acc, wrow, irow):
    cid = lax.axis_index("c")
    sid = lax.axis_index("s")
    wid = sid * 2 + cid
    base = wid * CHW

    wthresh = jnp.float32(1e-6)

    def per_channel(ci, carry):
        ch = base + ci
        pltpu.sync_copy(vt_hbm.at[ch], vext.at[pl.ds(0, L)])
        pltpu.sync_copy(vt_hbm.at[ch], vext.at[pl.ds(L, L)])
        pltpu.sync_copy(w_hbm.at[ch], wrow)
        pltpu.sync_copy(i_hbm.at[ch], irow)
        wv = wrow[...]
        iv = irow[...]
        ws = [wv[j] for j in range(KTOP)]
        sh = [iv[j] for j in range(KTOP)]

        @pl.loop(0, L // 16, unroll=4)
        def _t0(t):
            toff = t * 16
            accv = ws[0] * vext[pl.ds(sh[0] + toff, 16)]
            for j in range(1, 4):
                accv += ws[j] * vext[pl.ds(sh[j] + toff, 16)]
            acc[pl.ds(toff, 16)] = accv

        for q in range(1, KTOP // 4):
            @pl.when(ws[4 * q] >= wthresh)
            def _quad(q=q):
                @pl.loop(0, L // 16, unroll=4)
                def _t(t):
                    toff = t * 16
                    accv = acc[pl.ds(toff, 16)]
                    for j in range(4 * q, 4 * q + 4):
                        accv += ws[j] * vext[pl.ds(sh[j] + toff, 16)]
                    acc[pl.ds(toff, 16)] = accv

        pltpu.sync_copy(acc, out_hbm.at[ch])
        return carry

    lax.fori_loop(0, CHW, per_channel, 0)


def kernel(Q, K, V):
    fwd_mats = [jnp.asarray(m) for m in (_CCH, _CCL, _CSH, _CSL)]
    inv_mats = [jnp.asarray(m) for m in (_ICH, _ICL, _ISH, _ISL)]

    pr, pi = pl.pallas_call(
        _corr_fwd,
        grid=(B, D // DB, NF // FB),
        in_specs=[
            pl.BlockSpec((1, L, DB), lambda b, c, f: (b, 0, c)),
            pl.BlockSpec((1, L, DB), lambda b, c, f: (b, 0, c)),
        ] + [pl.BlockSpec((L, FB), lambda b, c, f: (0, f))] * 4,
        out_specs=[
            pl.BlockSpec((1, DB, FB), lambda b, c, f: (b, c, f)),
            pl.BlockSpec((1, DB, FB), lambda b, c, f: (b, c, f)),
        ],
        out_shape=[
            jax.ShapeDtypeStruct((B, D, NF), jnp.float32),
            jax.ShapeDtypeStruct((B, D, NF), jnp.float32),
        ],
    )(Q, K, *fwd_mats)

    rxx = pl.pallas_call(
        _corr_inv,
        grid=(B, L // LB),
        in_specs=[
            pl.BlockSpec((1, D, NF), lambda b, l: (b, 0, 0)),
            pl.BlockSpec((1, D, NF), lambda b, l: (b, 0, 0)),
        ] + [pl.BlockSpec((NF, LB), lambda b, l: (0, l))] * 4,
        out_specs=pl.BlockSpec((1, D, LB), lambda b, l: (b, 0, l)),
        out_shape=jax.ShapeDtypeStruct((B, D, L), jnp.float32),
    )(pr, pi, *inv_mats)

    w, ik = pl.pallas_call(
        _topk,
        grid=(B, D // CB),
        in_specs=[pl.BlockSpec((1, CB, L), lambda b, c: (b, c, 0))],
        out_specs=[
            pl.BlockSpec((1, CB, KTOP), lambda b, c: (b, c, 0)),
            pl.BlockSpec((1, CB, KTOP), lambda b, c: (b, c, 0)),
        ],
        out_shape=[
            jax.ShapeDtypeStruct((B, D, KTOP), jnp.float32),
            jax.ShapeDtypeStruct((B, D, KTOP), jnp.int32),
        ],
    )(rxx)

    vt = jnp.swapaxes(V, 1, 2).reshape(NCH, L)
    wf = w.reshape(NCH, KTOP)
    inf = ik.reshape(NCH, KTOP)

    mesh = plsc.VectorSubcoreMesh(core_axis_name="c", subcore_axis_name="s")
    at = pl.kernel(
        _roll_sum,
        out_type=jax.ShapeDtypeStruct((NCH, L), jnp.float32),
        mesh=mesh,
        scratch_types=[
            pltpu.VMEM((2 * L,), jnp.float32),
            pltpu.VMEM((L,), jnp.float32),
            pltpu.VMEM((KTOP,), jnp.float32),
            pltpu.VMEM((KTOP,), jnp.int32),
        ],
    )(vt, wf, inf)

    return jnp.swapaxes(at.reshape(B, D, L), 1, 2)

# --- scband reference (transcript-rebuilt; emitter-appended) ---
"""Pipeline reference for scband-auto-correlation-attention-41051297415916 (READ-ONLY COPY).

The authoritative reference and input builder live on the scoring server;
editing this copy changes nothing except your own understanding.
"""

import math
import jax, jax.numpy as jnp
import numpy as np

B, L, D = 2, 4096, 768
C = 2

def setup_inputs(seed: int = 0) -> dict:
    key = jax.random.key(seed)
    k1, k2, k3 = jax.random.split(key, 3)
    Q = jax.random.normal(k1, (B, L, D), dtype=jnp.float32)
    K = jax.random.normal(k2, (B, L, D), dtype=jnp.float32)
    V = jax.random.normal(k3, (B, L, D), dtype=jnp.float32)
    return {"Q": Q, "K": K, "V": V}

def reference(Q, K, V):
    dk = dv = D
    c = C
    Bn, Ln, _ = Q.shape
    Kp = jnp.zeros((Bn, Ln, dk), dtype=K.dtype).at[:, :K.shape[1], :].set(K)
    Vp = jnp.zeros((Bn, Ln, dv), dtype=V.dtype).at[:, :V.shape[1], :].set(V)
    Q_freq = jnp.fft.rfft(Q, axis=1)
    K_freq = jnp.fft.rfft(Kp, axis=1)
    Rxx = jnp.fft.irfft(Q_freq * jnp.conjugate(K_freq), n=Ln, axis=1)
    k = min(int(math.floor(c * math.log(Ln))), Ln)
    Wk, Ik = jax.lax.top_k(jnp.moveaxis(Rxx, 1, -1), k)
    Wk = jax.nn.softmax(Wk, axis=-1)

    def _per_d(_w, _i, _v):
        return _w * jnp.roll(_v, -_i)
    _per_d_v = jax.vmap(_per_d, in_axes=(0, 0, 1), out_axes=1)

    def _per_B(_wk, _ik, _V):
        return _per_d_v(_wk, _ik, _V)
    _per_B_v = jax.vmap(_per_B)

    def _per_k(wk, ik):
        return _per_B_v(wk, ik, Vp)
    _per_k_v = jax.vmap(_per_k, in_axes=-1)

    A = jnp.sum(_per_k_v(Wk, Ik), axis=0)
    return A

if __name__ == "__main__":
    import jax
    _d = setup_inputs()
    print(jax.jit(kernel)(*tuple(_d.values())))

</pallas_src>

<mosaic_0001>
#map = affine_map<(d0, d1) -> (0, 0)>
module attributes {stable_mosaic.version = 14 : i64} {
  func.func @_roll_sum(%arg0: i32, %arg1: i32, %arg2: memref<1536x4096xf32, #tpu.memory_space<hbm>>, %arg3: memref<1536x16xf32, #tpu.memory_space<hbm>>, %arg4: memref<1536x16xi32, #tpu.memory_space<hbm>>, %arg5: memref<1536x4096xf32, #tpu.memory_space<hbm>>, %arg6: memref<8192xf32, #tpu.memory_space<vmem>>, %arg7: memref<4096xf32, #tpu.memory_space<vmem>>, %arg8: memref<16xf32, #tpu.memory_space<vmem>>, %arg9: memref<16xi32, #tpu.memory_space<vmem>>) attributes {dimension_semantics = [#tpu.dimension_semantics<core_parallel>, #tpu.dimension_semantics<subcore_parallel>], iteration_bounds = array<i64: 2, 16>, scalar_prefetch = 0 : i64, scratch_operands = 4 : i64, tpu.core_type = #tpu.core_type<sc_vector_subcore>, window_params = [{transform_indices = #map}, {transform_indices = #map}, {transform_indices = #map}, {transform_indices = #map}]} {
    %mul3A = arith.constant 2 : i32
    %mul3A_0 = arith.muli %arg1, %mul3A : i32
    %add3A = arith.addi %mul3A_0, %arg0 : i32
    %mul3A_1 = arith.constant 48 : i32
    %mul3A_2 = arith.muli %add3A, %mul3A_1 : i32
    %scan3A = arith.constant 0 : i32
    %scan3A_3 = arith.constant 9.99999997E-7 : f32
    %scan3A_4 = arith.constant 0 : i32
    %scan3A_5 = arith.constant 48 : i32
    %scan3A_6 = arith.addi %scan3A_4, %scan3A_5 : i32
    %scan3A_7 = arith.constant 1 : i32
    scf.for %scan3A_9 = %scan3A_4 to %scan3A_6 step %scan3A_7  : i32 {
      %add3A_10 = arith.addi %mul3A_2, %scan3A_9 : i32
      "tpu.region"() ({
        %run_scoped3A = tpu.sem_alloc : memref<!tpu.dma_semaphore, #tpu.memory_space<semaphore_mem>>
        %dma_start3A = arith.constant 0 : i32
        %dma_start3A_92 = tpu.memref_slice %arg6[%dma_start3A] : memref<8192xf32, #tpu.memory_space<vmem>> -> memref<4096xf32, #tpu.memory_space<vmem>>
        %dma_start3A_93 = arith.constant 0 : i32
        %dma_start3A_94 = tpu.memref_slice %arg2[%add3A_10, %dma_start3A_93] : memref<1536x4096xf32, #tpu.memory_space<hbm>> -> memref<1x4096xf32, #tpu.memory_space<hbm>>
        %dma_start3A_95 = tpu.memref_squeeze %dma_start3A_94 : memref<1x4096xf32, #tpu.memory_space<hbm>> -> memref<4096xf32, #tpu.memory_space<hbm>>
        %dma_start3A_96 = arith.constant 0 : i32
        %dma_start3A_97 = tpu.memref_slice %arg6[%dma_start3A_96] : memref<8192xf32, #tpu.memory_space<vmem>> -> memref<4096xf32, #tpu.memory_space<vmem>>
        %dma_start3A_98 = arith.constant 0 : i32
        %dma_start3A_99 = tpu.memref_slice %arg2[%add3A_10, %dma_start3A_98] : memref<1536x4096xf32, #tpu.memory_space<hbm>> -> memref<1x4096xf32, #tpu.memory_space<hbm>>
        %dma_start3A_100 = tpu.memref_squeeze %dma_start3A_99 : memref<1x4096xf32, #tpu.memory_space<hbm>> -> memref<4096xf32, #tpu.memory_space<hbm>>
        tpu.enqueue_dma source(%dma_start3A_100 : memref<4096xf32, #tpu.memory_space<hbm>>) target(%dma_start3A_97 : memref<4096xf32, #tpu.memory_space<vmem>>) target_semaphore(%run_scoped3A : memref<!tpu.dma_semaphore, #tpu.memory_space<semaphore_mem>>)
        %dma_wait3A = arith.constant 0 : i32
        %dma_wait3A_101 = tpu.memref_slice %arg6[%dma_wait3A] : memref<8192xf32, #tpu.memory_space<vmem>> -> memref<4096xf32, #tpu.memory_space<vmem>>
        %dma_wait3A_102 = arith.constant 0 : i32
        %dma_wait3A_103 = tpu.memref_slice %arg2[%add3A_10, %dma_wait3A_102] : memref<1536x4096xf32, #tpu.memory_space<hbm>> -> memref<1x4096xf32, #tpu.memory_space<hbm>>
        %dma_wait3A_104 = tpu.memref_squeeze %dma_wait3A_103 : memref<1x4096xf32, #tpu.memory_space<hbm>> -> memref<4096xf32, #tpu.memory_space<hbm>>
        %dma_wait3A_105 = arith.constant 0 : i32
        %dma_wait3A_106 = tpu.memref_slice %arg6[%dma_wait3A_105] : memref<8192xf32, #tpu.memory_space<vmem>> -> memref<4096xf32, #tpu.memory_space<vmem>>
        %dma_wait3A_107 = arith.constant 0 : i32
        %dma_wait3A_108 = tpu.memref_slice %arg2[%add3A_10, %dma_wait3A_107] : memref<1536x4096xf32, #tpu.memory_space<hbm>> -> memref<1x4096xf32, #tpu.memory_space<hbm>>
        %dma_wait3A_109 = tpu.memref_squeeze %dma_wait3A_108 : memref<1x4096xf32, #tpu.memory_space<hbm>> -> memref<4096xf32, #tpu.memory_space<hbm>>
        tpu.wait_dma2 semaphore(%run_scoped3A : memref<!tpu.dma_semaphore, #tpu.memory_space<semaphore_mem>>) src(%dma_wait3A_109 : memref<4096xf32, #tpu.memory_space<hbm>>) dst(%dma_wait3A_106 : memref<4096xf32, #tpu.memory_space<vmem>>)
        tpu.yield
      }) : () -> ()
      "tpu.region"() ({
        %run_scoped3A = tpu.sem_alloc : memref<!tpu.dma_semaphore, #tpu.memory_space<semaphore_mem>>
        %dma_start3A = arith.constant 4096 : i32
        %dma_start3A_92 = tpu.memref_slice %arg6[%dma_start3A] : memref<8192xf32, #tpu.memory_space<vmem>> -> memref<4096xf32, #tpu.memory_space<vmem>>
        %dma_start3A_93 = arith.constant 0 : i32
        %dma_start3A_94 = tpu.memref_slice %arg2[%add3A_10, %dma_start3A_93] : memref<1536x4096xf32, #tpu.memory_space<hbm>> -> memref<1x4096xf32, #tpu.memory_space<hbm>>
        %dma_start3A_95 = tpu.memref_squeeze %dma_start3A_94 : memref<1x4096xf32, #tpu.memory_space<hbm>> -> memref<4096xf32, #tpu.memory_space<hbm>>
        %dma_start3A_96 = arith.constant 4096 : i32
        %dma_start3A_97 = tpu.memref_slice %arg6[%dma_start3A_96] : memref<8192xf32, #tpu.memory_space<vmem>> -> memref<4096xf32, #tpu.memory_space<vmem>>
        %dma_start3A_98 = arith.constant 0 : i32
        %dma_start3A_99 = tpu.memref_slice %arg2[%add3A_10, %dma_start3A_98] : memref<1536x4096xf32, #tpu.memory_space<hbm>> -> memref<1x4096xf32, #tpu.memory_space<hbm>>
        %dma_start3A_100 = tpu.memref_squeeze %dma_start3A_99 : memref<1x4096xf32, #tpu.memory_space<hbm>> -> memref<4096xf32, #tpu.memory_space<hbm>>
        tpu.enqueue_dma source(%dma_start3A_100 : memref<4096xf32, #tpu.memory_space<hbm>>) target(%dma_start3A_97 : memref<4096xf32, #tpu.memory_space<vmem>>) target_semaphore(%run_scoped3A : memref<!tpu.dma_semaphore, #tpu.memory_space<semaphore_mem>>)
        %dma_wait3A = arith.constant 4096 : i32
        %dma_wait3A_101 = tpu.memref_slice %arg6[%dma_wait3A] : memref<8192xf32, #tpu.memory_space<vmem>> -> memref<4096xf32, #tpu.memory_space<vmem>>
        %dma_wait3A_102 = arith.constant 0 : i32
        %dma_wait3A_103 = tpu.memref_slice %arg2[%add3A_10, %dma_wait3A_102] : memref<1536x4096xf32, #tpu.memory_space<hbm>> -> memref<1x4096xf32, #tpu.memory_space<hbm>>
        %dma_wait3A_104 = tpu.memref_squeeze %dma_wait3A_103 : memref<1x4096xf32, #tpu.memory_space<hbm>> -> memref<4096xf32, #tpu.memory_space<hbm>>
        %dma_wait3A_105 = arith.constant 4096 : i32
        %dma_wait3A_106 = tpu.memref_slice %arg6[%dma_wait3A_105] : memref<8192xf32, #tpu.memory_space<vmem>> -> memref<4096xf32, #tpu.memory_space<vmem>>
        %dma_wait3A_107 = arith.constant 0 : i32
        %dma_wait3A_108 = tpu.memref_slice %arg2[%add3A_10, %dma_wait3A_107] : memref<1536x4096xf32, #tpu.memory_space<hbm>> -> memref<1x4096xf32, #tpu.memory_space<hbm>>
        %dma_wait3A_109 = tpu.memref_squeeze %dma_wait3A_108 : memref<1x4096xf32, #tpu.memory_space<hbm>> -> memref<4096xf32, #tpu.memory_space<hbm>>
        tpu.wait_dma2 semaphore(%run_scoped3A : memref<!tpu.dma_semaphore, #tpu.memory_space<semaphore_mem>>) src(%dma_wait3A_109 : memref<4096xf32, #tpu.memory_space<hbm>>) dst(%dma_wait3A_106 : memref<4096xf32, #tpu.memory_space<vmem>>)
        tpu.yield
      }) : () -> ()
      "tpu.region"() ({
        %run_scoped3A = tpu.sem_alloc : memref<!tpu.dma_semaphore, #tpu.memory_space<semaphore_mem>>
        %dma_start3A = arith.constant 0 : i32
        %dma_start3A_92 = tpu.memref_slice %arg3[%add3A_10, %dma_start3A] : memref<1536x16xf32, #tpu.memory_space<hbm>> -> memref<1x16xf32, #tpu.memory_space<hbm>>
        %dma_start3A_93 = tpu.memref_squeeze %dma_start3A_92 : memref<1x16xf32, #tpu.memory_space<hbm>> -> memref<16xf32, #tpu.memory_space<hbm>>
        %dma_start3A_94 = arith.constant 0 : i32
        %dma_start3A_95 = tpu.memref_slice %arg3[%add3A_10, %dma_start3A_94] : memref<1536x16xf32, #tpu.memory_space<hbm>> -> memref<1x16xf32, #tpu.memory_space<hbm>>
        %dma_start3A_96 = tpu.memref_squeeze %dma_start3A_95 : memref<1x16xf32, #tpu.memory_space<hbm>> -> memref<16xf32, #tpu.memory_space<hbm>>
        tpu.enqueue_dma source(%dma_start3A_96 : memref<16xf32, #tpu.memory_space<hbm>>) target(%arg8 : memref<16xf32, #tpu.memory_space<vmem>>) target_semaphore(%run_scoped3A : memref<!tpu.dma_semaphore, #tpu.memory_space<semaphore_mem>>)
        %dma_wait3A = arith.constant 0 : i32
        %dma_wait3A_97 = tpu.memref_slice %arg3[%add3A_10, %dma_wait3A] : memref<1536x16xf32, #tpu.memory_space<hbm>> -> memref<1x16xf32, #tpu.memory_space<hbm>>
        %dma_wait3A_98 = tpu.memref_squeeze %dma_wait3A_97 : memref<1x16xf32, #tpu.memory_space<hbm>> -> memref<16xf32, #tpu.memory_space<hbm>>
        %dma_wait3A_99 = arith.constant 0 : i32
        %dma_wait3A_100 = tpu.memref_slice %arg3[%add3A_10, %dma_wait3A_99] : memref<1536x16xf32, #tpu.memory_space<hbm>> -> memref<1x16xf32, #tpu.memory_space<hbm>>
        %dma_wait3A_101 = tpu.memref_squeeze %dma_wait3A_100 : memref<1x16xf32, #tpu.memory_space<hbm>> -> memref<16xf32, #tpu.memory_space<hbm>>
        tpu.wait_dma2 semaphore(%run_scoped3A : memref<!tpu.dma_semaphore, #tpu.memory_space<semaphore_mem>>) src(%dma_wait3A_101 : memref<16xf32, #tpu.memory_space<hbm>>) dst(%arg8 : memref<16xf32, #tpu.memory_space<vmem>>)
        tpu.yield
      }) : () -> ()
      "tpu.region"() ({
        %run_scoped3A = tpu.sem_alloc : memref<!tpu.dma_semaphore, #tpu.memory_space<semaphore_mem>>
        %dma_start3A = arith.constant 0 : i32
        %dma_start3A_92 = tpu.memref_slice %arg4[%add3A_10, %dma_start3A] : memref<1536x16xi32, #tpu.memory_space<hbm>> -> memref<1x16xi32, #tpu.memory_space<hbm>>
        %dma_start3A_93 = tpu.memref_squeeze %dma_start3A_92 : memref<1x16xi32, #tpu.memory_space<hbm>> -> memref<16xi32, #tpu.memory_space<hbm>>
        %dma_start3A_94 = arith.constant 0 : i32
        %dma_start3A_95 = tpu.memref_slice %arg4[%add3A_10, %dma_start3A_94] : memref<1536x16xi32, #tpu.memory_space<hbm>> -> memref<1x16xi32, #tpu.memory_space<hbm>>
        %dma_start3A_96 = tpu.memref_squeeze %dma_start3A_95 : memref<1x16xi32, #tpu.memory_space<hbm>> -> memref<16xi32, #tpu.memory_space<hbm>>
        tpu.enqueue_dma source(%dma_start3A_96 : memref<16xi32, #tpu.memory_space<hbm>>) target(%arg9 : memref<16xi32, #tpu.memory_space<vmem>>) target_semaphore(%run_scoped3A : memref<!tpu.dma_semaphore, #tpu.memory_space<semaphore_mem>>)
        %dma_wait3A = arith.constant 0 : i32
        %dma_wait3A_97 = tpu.memref_slice %arg4[%add3A_10, %dma_wait3A] : memref<1536x16xi32, #tpu.memory_space<hbm>> -> memref<1x16xi32, #tpu.memory_space<hbm>>
        %dma_wait3A_98 = tpu.memref_squeeze %dma_wait3A_97 : memref<1x16xi32, #tpu.memory_space<hbm>> -> memref<16xi32, #tpu.memory_space<hbm>>
        %dma_wait3A_99 = arith.constant 0 : i32
        %dma_wait3A_100 = tpu.memref_slice %arg4[%add3A_10, %dma_wait3A_99] : memref<1536x16xi32, #tpu.memory_space<hbm>> -> memref<1x16xi32, #tpu.memory_space<hbm>>
        %dma_wait3A_101 = tpu.memref_squeeze %dma_wait3A_100 : memref<1x16xi32, #tpu.memory_space<hbm>> -> memref<16xi32, #tpu.memory_space<hbm>>
        tpu.wait_dma2 semaphore(%run_scoped3A : memref<!tpu.dma_semaphore, #tpu.memory_space<semaphore_mem>>) src(%dma_wait3A_101 : memref<16xi32, #tpu.memory_space<hbm>>) dst(%arg9 : memref<16xi32, #tpu.memory_space<vmem>>)
        tpu.yield
      }) : () -> ()
      %get3A = arith.constant 0 : index
      %get3A_11 = tpu.vector_load %arg8[%get3A] {strides = array<i32>} : memref<16xf32, #tpu.memory_space<vmem>>, vector<16xf32>,
      %get3A_12 = vector.shape_cast %get3A_11 : vector<16xf32> to vector<16xf32>
      %get3A_13 = arith.constant 0 : index
      %get3A_14 = tpu.vector_load %arg9[%get3A_13] {strides = array<i32>} : memref<16xi32, #tpu.memory_space<vmem>>, vector<16xi32>,
      %get3A_15 = vector.shape_cast %get3A_14 : vector<16xi32> to vector<16xi32>
      %slice3A = vector.extract_strided_slice %get3A_12 {offsets = [0], sizes = [1], strides = [1]} : vector<16xf32> to vector<1xf32>
      %squeeze3A = vector.extract %slice3A[0] : f32 from vector<1xf32>
      %slice3A_16 = vector.extract_strided_slice %get3A_12 {offsets = [1], sizes = [1], strides = [1]} : vector<16xf32> to vector<1xf32>
      %squeeze3A_17 = vector.extract %slice3A_16[0] : f32 from vector<1xf32>
      %slice3A_18 = vector.extract_strided_slice %get3A_12 {offsets = [2], sizes = [1], strides = [1]} : vector<16xf32> to vector<1xf32>
      %squeeze3A_19 = vector.extract %slice3A_18[0] : f32 from vector<1xf32>
      %slice3A_20 = vector.extract_strided_slice %get3A_12 {offsets = [3], sizes = [1], strides = [1]} : vector<16xf32> to vector<1xf32>
      %squeeze3A_21 = vector.extract %slice3A_20[0] : f32 from vector<1xf32>
      %slice3A_22 = vector.extract_strided_slice %get3A_12 {offsets = [4], sizes = [1], strides = [1]} : vector<16xf32> to vector<1xf32>
      %squeeze3A_23 = vector.extract %slice3A_22[0] : f32 from vector<1xf32>
      %slice3A_24 = vector.extract_strided_slice %get3A_12 {offsets = [5], sizes = [1], strides = [1]} : vector<16xf32> to vector<1xf32>
      %squeeze3A_25 = vector.extract %slice3A_24[0] : f32 from vector<1xf32>
      %slice3A_26 = vector.extract_strided_slice %get3A_12 {offsets = [6], sizes = [1], strides = [1]} : vector<16xf32> to vector<1xf32>
      %squeeze3A_27 = vector.extract %slice3A_26[0] : f32 from vector<1xf32>
      %slice3A_28 = vector.extract_strided_slice %get3A_12 {offsets = [7], sizes = [1], strides = [1]} : vector<16xf32> to vector<1xf32>
      %squeeze3A_29 = vector.extract %slice3A_28[0] : f32 from vector<1xf32>
      %slice3A_30 = vector.extract_strided_slice %get3A_12 {offsets = [8], sizes = [1], strides = [1]} : vector<16xf32> to vector<1xf32>
      %squeeze3A_31 = vector.extract %slice3A_30[0] : f32 from vector<1xf32>
      %slice3A_32 = vector.extract_strided_slice %get3A_12 {offsets = [9], sizes = [1], strides = [1]} : vector<16xf32> to vector<1xf32>
      %squeeze3A_33 = vector.extract %slice3A_32[0] : f32 from vector<1xf32>
      %slice3A_34 = vector.extract_strided_slice %get3A_12 {offsets = [10], sizes = [1], strides = [1]} : vector<16xf32> to vector<1xf32>
      %squeeze3A_35 = vector.extract %slice3A_34[0] : f32 from vector<1xf32>
      %slice3A_36 = vector.extract_strided_slice %get3A_12 {offsets = [11], sizes = [1], strides = [1]} : vector<16xf32> to vector<1xf32>
      %squeeze3A_37 = vector.extract %slice3A_36[0] : f32 from vector<1xf32>
      %slice3A_38 = vector.extract_strided_slice %get3A_12 {offsets = [12], sizes = [1], strides = [1]} : vector<16xf32> to vector<1xf32>
      %squeeze3A_39 = vector.extract %slice3A_38[0] : f32 from vector<1xf32>
      %slice3A_40 = vector.extract_strided_slice %get3A_12 {offsets = [13], sizes = [1], strides = [1]} : vector<16xf32> to vector<1xf32>
      %squeeze3A_41 = vector.extract %slice3A_40[0] : f32 from vector<1xf32>
      %slice3A_42 = vector.extract_strided_slice %get3A_12 {offsets = [14], sizes = [1], strides = [1]} : vector<16xf32> to vector<1xf32>
      %squeeze3A_43 = vector.extract %slice3A_42[0] : f32 from vector<1xf32>
      %slice3A_44 = vector.extract_strided_slice %get3A_12 {offsets = [15], sizes = [1], strides = [1]} : vector<16xf32> to vector<1xf32>
      %squeeze3A_45 = vector.extract %slice3A_44[0] : f32 from vector<1xf32>
      %slice3A_46 = vector.extract_strided_slice %get3A_15 {offsets = [0], sizes = [1], strides = [1]} : vector<16xi32> to vector<1xi32>
      %squeeze3A_47 = vector.extract %slice3A_46[0] : i32 from vector<1xi32>
      %slice3A_48 = vector.extract_strided_slice %get3A_15 {offsets = [1], sizes = [1], strides = [1]} : vector<16xi32> to vector<1xi32>
      %squeeze3A_49 = vector.extract %slice3A_48[0] : i32 from vector<1xi32>
      %slice3A_50 = vector.extract_strided_slice %get3A_15 {offsets = [2], sizes = [1], strides = [1]} : vector<16xi32> to vector<1xi32>
      %squeeze3A_51 = vector.extract %slice3A_50[0] : i32 from vector<1xi32>
      %slice3A_52 = vector.extract_strided_slice %get3A_15 {offsets = [3], sizes = [1], strides = [1]} : vector<16xi32> to vector<1xi32>
      %squeeze3A_53 = vector.extract %slice3A_52[0] : i32 from vector<1xi32>
      %slice3A_54 = vector.extract_strided_slice %get3A_15 {offsets = [4], sizes = [1], strides = [1]} : vector<16xi32> to vector<1xi32>
      %squeeze3A_55 = vector.extract %slice3A_54[0] : i32 from vector<1xi32>
      %slice3A_56 = vector.extract_strided_slice %get3A_15 {offsets = [5], sizes = [1], strides = [1]} : vector<16xi32> to vector<1xi32>
      %squeeze3A_57 = vector.extract %slice3A_56[0] : i32 from vector<1xi32>
      %slice3A_58 = vector.extract_strided_slice %get3A_15 {offsets = [6], sizes = [1], strides = [1]} : vector<16xi32> to vector<1xi32>
      %squeeze3A_59 = vector.extract %slice3A_58[0] : i32 from vector<1xi32>
      %slice3A_60 = vector.extract_strided_slice %get3A_15 {offsets = [7], sizes = [1], strides = [1]} : vector<16xi32> to vector<1xi32>
      %squeeze3A_61 = vector.extract %slice3A_60[0] : i32 from vector<1xi32>
      %slice3A_62 = vector.extract_strided_slice %get3A_15 {offsets = [8], sizes = [1], strides = [1]} : vector<16xi32> to vector<1xi32>
      %squeeze3A_63 = vector.extract %slice3A_62[0] : i32 from vector<1xi32>
      %slice3A_64 = vector.extract_strided_slice %get3A_15 {offsets = [9], sizes = [1], strides = [1]} : vector<16xi32> to vector<1xi32>
      %squeeze3A_65 = vector.extract %slice3A_64[0] : i32 from vector<1xi32>
      %slice3A_66 = vector.extract_strided_slice %get3A_15 {offsets = [10], sizes = [1], strides = [1]} : vector<16xi32> to vector<1xi32>
      %squeeze3A_67 = vector.extract %slice3A_66[0] : i32 from vector<1xi32>
      %slice3A_68 = vector.extract_strided_slice %get3A_15 {offsets = [11], sizes = [1], strides = [1]} : vector<16xi32> to vector<1xi32>
      %squeeze3A_69 = vector.extract %slice3A_68[0] : i32 from vector<1xi32>
      %slice3A_70 = vector.extract_strided_slice %get3A_15 {offsets = [12], sizes = [1], strides = [1]} : vector<16xi32> to vector<1xi32>
      %squeeze3A_71 = vector.extract %slice3A_70[0] : i32 from vector<1xi32>
      %slice3A_72 = vector.extract_strided_slice %get3A_15 {offsets = [13], sizes = [1], strides = [1]} : vector<16xi32> to vector<1xi32>
      %squeeze3A_73 = vector.extract %slice3A_72[0] : i32 from vector<1xi32>
      %slice3A_74 = vector.extract_strided_slice %get3A_15 {offsets = [14], sizes = [1], strides = [1]} : vector<16xi32> to vector<1xi32>
      %squeeze3A_75 = vector.extract %slice3A_74[0] : i32 from vector<1xi32>
      %slice3A_76 = vector.extract_strided_slice %get3A_15 {offsets = [15], sizes = [1], strides = [1]} : vector<16xi32> to vector<1xi32>
      %squeeze3A_77 = vector.extract %slice3A_76[0] : i32 from vector<1xi32>
      %scan3A_78 = arith.constant 0 : i32
      %scan3A_79 = arith.constant 256 : i32
      %scan3A_80 = arith.addi %scan3A_78, %scan3A_79 : i32
      %scan3A_81 = arith.constant 4 : i32
      scf.for %scan3A_92 = %scan3A_78 to %scan3A_80 step %scan3A_81  : i32 {
        %mul3A_93 = arith.constant 1 : i32
        %mul3A_94 = arith.muli %scan3A_92, %mul3A_93 : i32
        %add3A_95 = arith.constant 0 : i32
        %add3A_96 = arith.addi %add3A_95, %mul3A_94 : i32
        %mul3A_97 = arith.constant 16 : i32
        %mul3A_98 = arith.muli %add3A_96, %mul3A_97 : i32
        %add3A_99 = arith.addi %squeeze3A_47, %mul3A_98 : i32
        %get3A_100 = arith.index_cast %add3A_99 : i32 to index
        %get3A_101 = tpu.vector_load %arg6[%get3A_100] {strides = array<i32>} : memref<8192xf32, #tpu.memory_space<vmem>>, vector<16xf32>,
        %get3A_102 = vector.shape_cast %get3A_101 : vector<16xf32> to vector<16xf32>
        %mul3A_103 = vector.broadcast %squeeze3A : f32 to vector<16xf32>
        %mul3A_104 = arith.mulf %mul3A_103, %get3A_102 : vector<16xf32>
        %add3A_105 = arith.addi %squeeze3A_49, %mul3A_98 : i32
        %get3A_106 = arith.index_cast %add3A_105 : i32 to index
        %get3A_107 = tpu.vector_load %arg6[%get3A_106] {strides = array<i32>} : memref<8192xf32, #tpu.memory_space<vmem>>, vector<16xf32>,
        %get3A_108 = vector.shape_cast %get3A_107 : vector<16xf32> to vector<16xf32>
        %mul3A_109 = vector.broadcast %squeeze3A_17 : f32 to vector<16xf32>
        %mul3A_110 = arith.mulf %mul3A_109, %get3A_108 : vector<16xf32>
        %add3A_111 = arith.addf %mul3A_104, %mul3A_110 : vector<16xf32>
        %add3A_112 = arith.addi %squeeze3A_51, %mul3A_98 : i32
        %get3A_113 = arith.index_cast %add3A_112 : i32 to index
        %get3A_114 = tpu.vector_load %arg6[%get3A_113] {strides = array<i32>} : memref<8192xf32, #tpu.memory_space<vmem>>, vector<16xf32>,
        %get3A_115 = vector.shape_cast %get3A_114 : vector<16xf32> to vector<16xf32>
        %mul3A_116 = vector.broadcast %squeeze3A_19 : f32 to vector<16xf32>
        %mul3A_117 = arith.mulf %mul3A_116, %get3A_115 : vector<16xf32>
        %add3A_118 = arith.addf %add3A_111, %mul3A_117 : vector<16xf32>
        %add3A_119 = arith.addi %squeeze3A_53, %mul3A_98 : i32
        %get3A_120 = arith.index_cast %add3A_119 : i32 to index
        %get3A_121 = tpu.vector_load %arg6[%get3A_120] {strides = array<i32>} : memref<8192xf32, #tpu.memory_space<vmem>>, vector<16xf32>,
        %get3A_122 = vector.shape_cast %get3A_121 : vector<16xf32> to vector<16xf32>
        %mul3A_123 = vector.broadcast %squeeze3A_21 : f32 to vector<16xf32>
        %mul3A_124 = arith.mulf %mul3A_123, %get3A_122 : vector<16xf32>
        %add3A_125 = arith.addf %add3A_118, %mul3A_124 : vector<16xf32>
        %swap3A = arith.index_cast %mul3A_98 : i32 to index
        %swap3A_126 = tpu.vector_load %arg7[%swap3A] {strides = array<i32>} : memref<4096xf32, #tpu.memory_space<vmem>>, vector<16xf32>,
        %swap3A_127 = vector.shape_cast %swap3A_126 : vector<16xf32> to vector<16xf32>
        %swap3A_128 = vector.shape_cast %add3A_125 : vector<16xf32> to vector<16xf32>
        tpu.vector_store %arg7[%swap3A], %swap3A_128 {strides = array<i32>} : memref<4096xf32, #tpu.memory_space<vmem>>, vector<16xf32>,
        %scan3A_129 = arith.constant 1 : i32
        %scan3A_130 = arith.addi %scan3A_92, %scan3A_129 : i32
        %mul3A_131 = arith.constant 1 : i32
        %mul3A_132 = arith.muli %scan3A_130, %mul3A_131 : i32
        %add3A_133 = arith.constant 0 : i32
        %add3A_134 = arith.addi %add3A_133, %mul3A_132 : i32
        %mul3A_135 = arith.constant 16 : i32
        %mul3A_136 = arith.muli %add3A_134, %mul3A_135 : i32
        %add3A_137 = arith.addi %squeeze3A_47, %mul3A_136 : i32
        %get3A_138 = arith.index_cast %add3A_137 : i32 to index
        %get3A_139 = tpu.vector_load %arg6[%get3A_138] {strides = array<i32>} : memref<8192xf32, #tpu.memory_space<vmem>>, vector<16xf32>,
        %get3A_140 = vector.shape_cast %get3A_139 : vector<16xf32> to vector<16xf32>
        %mul3A_141 = vector.broadcast %squeeze3A : f32 to vector<16xf32>
        %mul3A_142 = arith.mulf %mul3A_141, %get3A_140 : vector<16xf32>
        %add3A_143 = arith.addi %squeeze3A_49, %mul3A_136 : i32
        %get3A_144 = arith.index_cast %add3A_143 : i32 to index
        %get3A_145 = tpu.vector_load %arg6[%get3A_144] {strides = array<i32>} : memref<8192xf32, #tpu.memory_space<vmem>>, vector<16xf32>,
        %get3A_146 = vector.shape_cast %get3A_145 : vector<16xf32> to vector<16xf32>
        %mul3A_147 = vector.broadcast %squeeze3A_17 : f32 to vector<16xf32>
        %mul3A_148 = arith.mulf %mul3A_147, %get3A_146 : vector<16xf32>
        %add3A_149 = arith.addf %mul3A_142, %mul3A_148 : vector<16xf32>
        %add3A_150 = arith.addi %squeeze3A_51, %mul3A_136 : i32
        %get3A_151 = arith.index_cast %add3A_150 : i32 to index
        %get3A_152 = tpu.vector_load %arg6[%get3A_151] {strides = array<i32>} : memref<8192xf32, #tpu.memory_space<vmem>>, vector<16xf32>,
        %get3A_153 = vector.shape_cast %get3A_152 : vector<16xf32> to vector<16xf32>
        %mul3A_154 = vector.broadcast %squeeze3A_19 : f32 to vector<16xf32>
        %mul3A_155 = arith.mulf %mul3A_154, %get3A_153 : vector<16xf32>
        %add3A_156 = arith.addf %add3A_149, %mul3A_155 : vector<16xf32>
        %add3A_157 = arith.addi %squeeze3A_53, %mul3A_136 : i32
        %get3A_158 = arith.index_cast %add3A_157 : i32 to index
        %get3A_159 = tpu.vector_load %arg6[%get3A_158] {strides = array<i32>} : memref<8192xf32, #tpu.memory_space<vmem>>, vector<16xf32>,
        %get3A_160 = vector.shape_cast %get3A_159 : vector<16xf32> to vector<16xf32>
        %mul3A_161 = vector.broadcast %squeeze3A_21 : f32 to vector<16xf32>
        %mul3A_162 = arith.mulf %mul3A_161, %get3A_160 : vector<16xf32>
        %add3A_163 = arith.addf %add3A_156, %mul3A_162 : vector<16xf32>
        %swap3A_164 = arith.index_cast %mul3A_136 : i32 to index
        %swap3A_165 = tpu.vector_load %arg7[%swap3A_164] {strides = array<i32>} : memref<4096xf32, #tpu.memory_space<vmem>>, vector<16xf32>,
        %swap3A_166 = vector.shape_cast %swap3A_165 : vector<16xf32> to vector<16xf32>
        %swap3A_167 = vector.shape_cast %add3A_163 : vector<16xf32> to vector<16xf32>
        tpu.vector_store %arg7[%swap3A_164], %swap3A_167 {strides = array<i32>} : memref<4096xf32, #tpu.memory_space<vmem>>, vector<16xf32>,
        %scan3A_168 = arith.constant 2 : i32
        %scan3A_169 = arith.addi %scan3A_92, %scan3A_168 : i32
        %mul3A_170 = arith.constant 1 : i32
        %mul3A_171 = arith.muli %scan3A_169, %mul3A_170 : i32
        %add3A_172 = arith.constant 0 : i32
        %add3A_173 = arith.addi %add3A_172, %mul3A_171 : i32
        %mul3A_174 = arith.constant 16 : i32
        %mul3A_175 = arith.muli %add3A_173, %mul3A_174 : i32
        %add3A_176 = arith.addi %squeeze3A_47, %mul3A_175 : i32
        %get3A_177 = arith.index_cast %add3A_176 : i32 to index
        %get3A_178 = tpu.vector_load %arg6[%get3A_177] {strides = array<i32>} : memref<8192xf32, #tpu.memory_space<vmem>>, vector<16xf32>,
        %get3A_179 = vector.shape_cast %get3A_178 : vector<16xf32> to vector<16xf32>
        %mul3A_180 = vector.broadcast %squeeze3A : f32 to vector<16xf32>
        %mul3A_181 = arith.mulf %mul3A_180, %get3A_179 : vector<16xf32>
        %add3A_182 = arith.addi %squeeze3A_49, %mul3A_175 : i32
        %get3A_183 = arith.index_cast %add3A_182 : i32 to index
        %get3A_184 = tpu.vector_load %arg6[%get3A_183] {strides = array<i32>} : memref<8192xf32, #tpu.memory_space<vmem>>, vector<16xf32>,
        %get3A_185 = vector.shape_cast %get3A_184 : vector<16xf32> to vector<16xf32>
        %mul3A_186 = vector.broadcast %squeeze3A_17 : f32 to vector<16xf32>
        %mul3A_187 = arith.mulf %mul3A_186, %get3A_185 : vector<16xf32>
        %add3A_188 = arith.addf %mul3A_181, %mul3A_187 : vector<16xf32>
        %add3A_189 = arith.addi %squeeze3A_51, %mul3A_175 : i32
        %get3A_190 = arith.index_cast %add3A_189 : i32 to index
        %get3A_191 = tpu.vector_load %arg6[%get3A_190] {strides = array<i32>} : memref<8192xf32, #tpu.memory_space<vmem>>, vector<16xf32>,
        %get3A_192 = vector.shape_cast %get3A_191 : vector<16xf32> to vector<16xf32>
        %mul3A_193 = vector.broadcast %squeeze3A_19 : f32 to vector<16xf32>
        %mul3A_194 = arith.mulf %mul3A_193, %get3A_192 : vector<16xf32>
        %add3A_195 = arith.addf %add3A_188, %mul3A_194 : vector<16xf32>
        %add3A_196 = arith.addi %squeeze3A_53, %mul3A_175 : i32
        %get3A_197 = arith.index_cast %add3A_196 : i32 to index
        %get3A_198 = tpu.vector_load %arg6[%get3A_197] {strides = array<i32>} : memref<8192xf32, #tpu.memory_space<vmem>>, vector<16xf32>,
        %get3A_199 = vector.shape_cast %get3A_198 : vector<16xf32> to vector<16xf32>
        %mul3A_200 = vector.broadcast %squeeze3A_21 : f32 to vector<16xf32>
        %mul3A_201 = arith.mulf %mul3A_200, %get3A_199 : vector<16xf32>
        %add3A_202 = arith.addf %add3A_195, %mul3A_201 : vector<16xf32>
        %swap3A_203 = arith.index_cast %mul3A_175 : i32 to index
        %swap3A_204 = tpu.vector_load %arg7[%swap3A_203] {strides = array<i32>} : memref<4096xf32, #tpu.memory_space<vmem>>, vector<16xf32>,
        %swap3A_205 = vector.shape_cast %swap3A_204 : vector<16xf32> to vector<16xf32>
        %swap3A_206 = vector.shape_cast %add3A_202 : vector<16xf32> to vector<16xf32>
        tpu.vector_store %arg7[%swap3A_203], %swap3A_206 {strides = array<i32>} : memref<4096xf32, #tpu.memory_space<vmem>>, vector<16xf32>,
        %scan3A_207 = arith.constant 3 : i32
        %scan3A_208 = arith.addi %scan3A_92, %scan3A_207 : i32
        %mul3A_209 = arith.constant 1 : i32
        %mul3A_210 = arith.muli %scan3A_208, %mul3A_209 : i32
        %add3A_211 = arith.constant 0 : i32
        %add3A_212 = arith.addi %add3A_211, %mul3A_210 : i32
        %mul3A_213 = arith.constant 16 : i32
        %mul3A_214 = arith.muli %add3A_212, %mul3A_213 : i32
        %add3A_215 = arith.addi %squeeze3A_47, %mul3A_214 : i32
        %get3A_216 = arith.index_cast %add3A_215 : i32 to index
        %get3A_217 = tpu.vector_load %arg6[%get3A_216] {strides = array<i32>} : memref<8192xf32, #tpu.memory_space<vmem>>, vector<16xf32>,
        %get3A_218 = vector.shape_cast %get3A_217 : vector<16xf32> to vector<16xf32>
        %mul3A_219 = vector.broadcast %squeeze3A : f32 to vector<16xf32>
        %mul3A_220 = arith.mulf %mul3A_219, %get3A_218 : vector<16xf32>
        %add3A_221 = arith.addi %squeeze3A_49, %mul3A_214 : i32
        %get3A_222 = arith.index_cast %add3A_221 : i32 to index
        %get3A_223 = tpu.vector_load %arg6[%get3A_222] {strides = array<i32>} : memref<8192xf32, #tpu.memory_space<vmem>>, vector<16xf32>,
        %get3A_224 = vector.shape_cast %get3A_223 : vector<16xf32> to vector<16xf32>
        %mul3A_225 = vector.broadcast %squeeze3A_17 : f32 to vector<16xf32>
        %mul3A_226 = arith.mulf %mul3A_225, %get3A_224 : vector<16xf32>
        %add3A_227 = arith.addf %mul3A_220, %mul3A_226 : vector<16xf32>
        %add3A_228 = arith.addi %squeeze3A_51, %mul3A_214 : i32
        %get3A_229 = arith.index_cast %add3A_228 : i32 to index
        %get3A_230 = tpu.vector_load %arg6[%get3A_229] {strides = array<i32>} : memref<8192xf32, #tpu.memory_space<vmem>>, vector<16xf32>,
        %get3A_231 = vector.shape_cast %get3A_230 : vector<16xf32> to vector<16xf32>
        %mul3A_232 = vector.broadcast %squeeze3A_19 : f32 to vector<16xf32>
        %mul3A_233 = arith.mulf %mul3A_232, %get3A_231 : vector<16xf32>
        %add3A_234 = arith.addf %add3A_227, %mul3A_233 : vector<16xf32>
        %add3A_235 = arith.addi %squeeze3A_53, %mul3A_214 : i32
        %get3A_236 = arith.index_cast %add3A_235 : i32 to index
        %get3A_237 = tpu.vector_load %arg6[%get3A_236] {strides = array<i32>} : memref<8192xf32, #tpu.memory_space<vmem>>, vector<16xf32>,
        %get3A_238 = vector.shape_cast %get3A_237 : vector<16xf32> to vector<16xf32>
        %mul3A_239 = vector.broadcast %squeeze3A_21 : f32 to vector<16xf32>
        %mul3A_240 = arith.mulf %mul3A_239, %get3A_238 : vector<16xf32>
        %add3A_241 = arith.addf %add3A_234, %mul3A_240 : vector<16xf32>
        %swap3A_242 = arith.index_cast %mul3A_214 : i32 to index
        %swap3A_243 = tpu.vector_load %arg7[%swap3A_242] {strides = array<i32>} : memref<4096xf32, #tpu.memory_space<vmem>>, vector<16xf32>,
        %swap3A_244 = vector.shape_cast %swap3A_243 : vector<16xf32> to vector<16xf32>
        %swap3A_245 = vector.shape_cast %add3A_241 : vector<16xf32> to vector<16xf32>
        tpu.vector_store %arg7[%swap3A_242], %swap3A_245 {strides = array<i32>} : memref<4096xf32, #tpu.memory_space<vmem>>, vector<16xf32>,
      }
      %scan3A_82 = arith.constant 256 : i32
      %ge3A = arith.cmpf oge, %squeeze3A_23, %scan3A_3 : f32
      %convert_element_type3A = arith.extui %ge3A : i1 to i32
      %cond3A = arith.constant 0 : i32
      %cond3A_83 = arith.cmpi ne, %convert_element_type3A, %cond3A : i32
      scf.if %cond3A_83 {
        %scan3A_92 = arith.constant 0 : i32
        %scan3A_93 = arith.constant 256 : i32
        %scan3A_94 = arith.addi %scan3A_92, %scan3A_93 : i32
        %scan3A_95 = arith.constant 4 : i32
        scf.for %scan3A_97 = %scan3A_92 to %scan3A_94 step %scan3A_95  : i32 {
          %mul3A_98 = arith.constant 1 : i32
          %mul3A_99 = arith.muli %scan3A_97, %mul3A_98 : i32
          %add3A_100 = arith.constant 0 : i32
          %add3A_101 = arith.addi %add3A_100, %mul3A_99 : i32
          %mul3A_102 = arith.constant 16 : i32
          %mul3A_103 = arith.muli %add3A_101, %mul3A_102 : i32
          %get3A_104 = arith.index_cast %mul3A_103 : i32 to index
          %get3A_105 = tpu.vector_load %arg7[%get3A_104] {strides = array<i32>} : memref<4096xf32, #tpu.memory_space<vmem>>, vector<16xf32>,
          %get3A_106 = vector.shape_cast %get3A_105 : vector<16xf32> to vector<16xf32>
          %add3A_107 = arith.addi %squeeze3A_55, %mul3A_103 : i32
          %get3A_108 = arith.index_cast %add3A_107 : i32 to index
          %get3A_109 = tpu.vector_load %arg6[%get3A_108] {strides = array<i32>} : memref<8192xf32, #tpu.memory_space<vmem>>, vector<16xf32>,
          %get3A_110 = vector.shape_cast %get3A_109 : vector<16xf32> to vector<16xf32>
          %mul3A_111 = vector.broadcast %squeeze3A_23 : f32 to vector<16xf32>
          %mul3A_112 = arith.mulf %mul3A_111, %get3A_110 : vector<16xf32>
          %add3A_113 = arith.addf %get3A_106, %mul3A_112 : vector<16xf32>
          %add3A_114 = arith.addi %squeeze3A_57, %mul3A_103 : i32
          %get3A_115 = arith.index_cast %add3A_114 : i32 to index
          %get3A_116 = tpu.vector_load %arg6[%get3A_115] {strides = array<i32>} : memref<8192xf32, #tpu.memory_space<vmem>>, vector<16xf32>,
          %get3A_117 = vector.shape_cast %get3A_116 : vector<16xf32> to vector<16xf32>
          %mul3A_118 = vector.broadcast %squeeze3A_25 : f32 to vector<16xf32>
          %mul3A_119 = arith.mulf %mul3A_118, %get3A_117 : vector<16xf32>
          %add3A_120 = arith.addf %add3A_113, %mul3A_119 : vector<16xf32>
          %add3A_121 = arith.addi %squeeze3A_59, %mul3A_103 : i32
          %get3A_122 = arith.index_cast %add3A_121 : i32 to index
          %get3A_123 = tpu.vector_load %arg6[%get3A_122] {strides = array<i32>} : memref<8192xf32, #tpu.memory_space<vmem>>, vector<16xf32>,
          %get3A_124 = vector.shape_cast %get3A_123 : vector<16xf32> to vector<16xf32>
          %mul3A_125 = vector.broadcast %squeeze3A_27 : f32 to vector<16xf32>
          %mul3A_126 = arith.mulf %mul3A_125, %get3A_124 : vector<16xf32>
          %add3A_127 = arith.addf %add3A_120, %mul3A_126 : vector<16xf32>
          %add3A_128 = arith.addi %squeeze3A_61, %mul3A_103 : i32
          %get3A_129 = arith.index_cast %add3A_128 : i32 to index
          %get3A_130 = tpu.vector_load %arg6[%get3A_129] {strides = array<i32>} : memref<8192xf32, #tpu.memory_space<vmem>>, vector<16xf32>,
          %get3A_131 = vector.shape_cast %get3A_130 : vector<16xf32> to vector<16xf32>
          %mul3A_132 = vector.broadcast %squeeze3A_29 : f32 to vector<16xf32>
          %mul3A_133 = arith.mulf %mul3A_132, %get3A_131 : vector<16xf32>
          %add3A_134 = arith.addf %add3A_127, %mul3A_133 : vector<16xf32>
          %swap3A = arith.index_cast %mul3A_103 : i32 to index
          %swap3A_135 = tpu.vector_load %arg7[%swap3A] {strides = array<i32>} : memref<4096xf32, #tpu.memory_space<vmem>>, vector<16xf32>,
          %swap3A_136 = vector.shape_cast %swap3A_135 : vector<16xf32> to vector<16xf32>
          %swap3A_137 = vector.shape_cast %add3A_134 : vector<16xf32> to vector<16xf32>
          tpu.vector_store %arg7[%swap3A], %swap3A_137 {strides = array<i32>} : memref<4096xf32, #tpu.memory_space<vmem>>, vector<16xf32>,
          %scan3A_138 = arith.constant 1 : i32
          %scan3A_139 = arith.addi %scan3A_97, %scan3A_138 : i32
          %mul3A_140 = arith.constant 1 : i32
          %mul3A_141 = arith.muli %scan3A_139, %mul3A_140 : i32
          %add3A_142 = arith.constant 0 : i32
          %add3A_143 = arith.addi %add3A_142, %mul3A_141 : i32
          %mul3A_144 = arith.constant 16 : i32
          %mul3A_145 = arith.muli %add3A_143, %mul3A_144 : i32
          %get3A_146 = arith.index_cast %mul3A_145 : i32 to index
          %get3A_147 = tpu.vector_load %arg7[%get3A_146] {strides = array<i32>} : memref<4096xf32, #tpu.memory_space<vmem>>, vector<16xf32>,
          %get3A_148 = vector.shape_cast %get3A_147 : vector<16xf32> to vector<16xf32>
          %add3A_149 = arith.addi %squeeze3A_55, %mul3A_145 : i32
          %get3A_150 = arith.index_cast %add3A_149 : i32 to index
          %get3A_151 = tpu.vector_load %arg6[%get3A_150] {strides = array<i32>} : memref<8192xf32, #tpu.memory_space<vmem>>, vector<16xf32>,
          %get3A_152 = vector.shape_cast %get3A_151 : vector<16xf32> to vector<16xf32>
          %mul3A_153 = vector.broadcast %squeeze3A_23 : f32 to vector<16xf32>
          %mul3A_154 = arith.mulf %mul3A_153, %get3A_152 : vector<16xf32>
          %add3A_155 = arith.addf %get3A_148, %mul3A_154 : vector<16xf32>
          %add3A_156 = arith.addi %squeeze3A_57, %mul3A_145 : i32
          %get3A_157 = arith.index_cast %add3A_156 : i32 to index
          %get3A_158 = tpu.vector_load %arg6[%get3A_157] {strides = array<i32>} : memref<8192xf32, #tpu.memory_space<vmem>>, vector<16xf32>,
          %get3A_159 = vector.shape_cast %get3A_158 : vector<16xf32> to vector<16xf32>
          %mul3A_160 = vector.broadcast %squeeze3A_25 : f32 to vector<16xf32>
          %mul3A_161 = arith.mulf %mul3A_160, %get3A_159 : vector<16xf32>
          %add3A_162 = arith.addf %add3A_155, %mul3A_161 : vector<16xf32>
          %add3A_163 = arith.addi %squeeze3A_59, %mul3A_145 : i32
          %get3A_164 = arith.index_cast %add3A_163 : i32 to index
          %get3A_165 = tpu.vector_load %arg6[%get3A_164] {strides = array<i32>} : memref<8192xf32, #tpu.memory_space<vmem>>, vector<16xf32>,
          %get3A_166 = vector.shape_cast %get3A_165 : vector<16xf32> to vector<16xf32>
          %mul3A_167 = vector.broadcast %squeeze3A_27 : f32 to vector<16xf32>
          %mul3A_168 = arith.mulf %mul3A_167, %get3A_166 : vector<16xf32>
          %add3A_169 = arith.addf %add3A_162, %mul3A_168 : vector<16xf32>
          %add3A_170 = arith.addi %squeeze3A_61, %mul3A_145 : i32
          %get3A_171 = arith.index_cast %add3A_170 : i32 to index
          %get3A_172 = tpu.vector_load %arg6[%get3A_171] {strides = array<i32>} : memref<8192xf32, #tpu.memory_space<vmem>>, vector<16xf32>,
          %get3A_173 = vector.shape_cast %get3A_172 : vector<16xf32> to vector<16xf32>
          %mul3A_174 = vector.broadcast %squeeze3A_29 : f32 to vector<16xf32>
          %mul3A_175 = arith.mulf %mul3A_174, %get3A_173 : vector<16xf32>
          %add3A_176 = arith.addf %add3A_169, %mul3A_175 : vector<16xf32>
          %swap3A_177 = arith.index_cast %mul3A_145 : i32 to index
          %swap3A_178 = tpu.vector_load %arg7[%swap3A_177] {strides = array<i32>} : memref<4096xf32, #tpu.memory_space<vmem>>, vector<16xf32>,
          %swap3A_179 = vector.shape_cast %swap3A_178 : vector<16xf32> to vector<16xf32>
          %swap3A_180 = vector.shape_cast %add3A_176 : vector<16xf32> to vector<16xf32>
          tpu.vector_store %arg7[%swap3A_177], %swap3A_180 {strides = array<i32>} : memref<4096xf32, #tpu.memory_space<vmem>>, vector<16xf32>,
          %scan3A_181 = arith.constant 2 : i32
          %scan3A_182 = arith.addi %scan3A_97, %scan3A_181 : i32
          %mul3A_183 = arith.constant 1 : i32
          %mul3A_184 = arith.muli %scan3A_182, %mul3A_183 : i32
          %add3A_185 = arith.constant 0 : i32
          %add3A_186 = arith.addi %add3A_185, %mul3A_184 : i32
          %mul3A_187 = arith.constant 16 : i32
          %mul3A_188 = arith.muli %add3A_186, %mul3A_187 : i32
          %get3A_189 = arith.index_cast %mul3A_188 : i32 to index
          %get3A_190 = tpu.vector_load %arg7[%get3A_189] {strides = array<i32>} : memref<4096xf32, #tpu.memory_space<vmem>>, vector<16xf32>,
          %get3A_191 = vector.shape_cast %get3A_190 : vector<16xf32> to vector<16xf32>
          %add3A_192 = arith.addi %squeeze3A_55, %mul3A_188 : i32
          %get3A_193 = arith.index_cast %add3A_192 : i32 to index
          %get3A_194 = tpu.vector_load %arg6[%get3A_193] {strides = array<i32>} : memref<8192xf32, #tpu.memory_space<vmem>>, vector<16xf32>,
          %get3A_195 = vector.shape_cast %get3A_194 : vector<16xf32> to vector<16xf32>
          %mul3A_196 = vector.broadcast %squeeze3A_23 : f32 to vector<16xf32>
          %mul3A_197 = arith.mulf %mul3A_196, %get3A_195 : vector<16xf32>
          %add3A_198 = arith.addf %get3A_191, %mul3A_197 : vector<16xf32>
          %add3A_199 = arith.addi %squeeze3A_57, %mul3A_188 : i32
          %get3A_200 = arith.index_cast %add3A_199 : i32 to index
          %get3A_201 = tpu.vector_load %arg6[%get3A_200] {strides = array<i32>} : memref<8192xf32, #tpu.memory_space<vmem>>, vector<16xf32>,
          %get3A_202 = vector.shape_cast %get3A_201 : vector<16xf32> to vector<16xf32>
          %mul3A_203 = vector.broadcast %squeeze3A_25 : f32 to vector<16xf32>
          %mul3A_204 = arith.mulf %mul3A_203, %get3A_202 : vector<16xf32>
          %add3A_205 = arith.addf %add3A_198, %mul3A_204 : vector<16xf32>
          %add3A_206 = arith.addi %squeeze3A_59, %mul3A_188 : i32
          %get3A_207 = arith.index_cast %add3A_206 : i32 to index
          %get3A_208 = tpu.vector_load %arg6[%get3A_207] {strides = array<i32>} : memref<8192xf32, #tpu.memory_space<vmem>>, vector<16xf32>,
          %get3A_209 = vector.shape_cast %get3A_208 : vector<16xf32> to vector<16xf32>
          %mul3A_210 = vector.broadcast %squeeze3A_27 : f32 to vector<16xf32>
          %mul3A_211 = arith.mulf %mul3A_210, %get3A_209 : vector<16xf32>
          %add3A_212 = arith.addf %add3A_205, %mul3A_211 : vector<16xf32>
          %add3A_213 = arith.addi %squeeze3A_61, %mul3A_188 : i32
          %get3A_214 = arith.index_cast %add3A_213 : i32 to index
          %get3A_215 = tpu.vector_load %arg6[%get3A_214] {strides = array<i32>} : memref<8192xf32, #tpu.memory_space<vmem>>, vector<16xf32>,
          %get3A_216 = vector.shape_cast %get3A_215 : vector<16xf32> to vector<16xf32>
          %mul3A_217 = vector.broadcast %squeeze3A_29 : f32 to vector<16xf32>
          %mul3A_218 = arith.mulf %mul3A_217, %get3A_216 : vector<16xf32>
          %add3A_219 = arith.addf %add3A_212, %mul3A_218 : vector<16xf32>
          %swap3A_220 = arith.index_cast %mul3A_188 : i32 to index
          %swap3A_221 = tpu.vector_load %arg7[%swap3A_220] {strides = array<i32>} : memref<4096xf32, #tpu.memory_space<vmem>>, vector<16xf32>,
          %swap3A_222 = vector.shape_cast %swap3A_221 : vector<16xf32> to vector<16xf32>
          %swap3A_223 = vector.shape_cast %add3A_219 : vector<16xf32> to vector<16xf32>
          tpu.vector_store %arg7[%swap3A_220], %swap3A_223 {strides = array<i32>} : memref<4096xf32, #tpu.memory_space<vmem>>, vector<16xf32>,
          %scan3A_224 = arith.constant 3 : i32
          %scan3A_225 = arith.addi %scan3A_97, %scan3A_224 : i32
          %mul3A_226 = arith.constant 1 : i32
          %mul3A_227 = arith.muli %scan3A_225, %mul3A_226 : i32
          %add3A_228 = arith.constant 0 : i32
          %add3A_229 = arith.addi %add3A_228, %mul3A_227 : i32
          %mul3A_230 = arith.constant 16 : i32
          %mul3A_231 = arith.muli %add3A_229, %mul3A_230 : i32
          %get3A_232 = arith.index_cast %mul3A_231 : i32 to index
          %get3A_233 = tpu.vector_load %arg7[%get3A_232] {strides = array<i32>} : memref<4096xf32, #tpu.memory_space<vmem>>, vector<16xf32>,
          %get3A_234 = vector.shape_cast %get3A_233 : vector<16xf32> to vector<16xf32>
          %add3A_235 = arith.addi %squeeze3A_55, %mul3A_231 : i32
          %get3A_236 = arith.index_cast %add3A_235 : i32 to index
          %get3A_237 = tpu.vector_load %arg6[%get3A_236] {strides = array<i32>} : memref<8192xf32, #tpu.memory_space<vmem>>, vector<16xf32>,
          %get3A_238 = vector.shape_cast %get3A_237 : vector<16xf32> to vector<16xf32>
          %mul3A_239 = vector.broadcast %squeeze3A_23 : f32 to vector<16xf32>
          %mul3A_240 = arith.mulf %mul3A_239, %get3A_238 : vector<16xf32>
          %add3A_241 = arith.addf %get3A_234, %mul3A_240 : vector<16xf32>
          %add3A_242 = arith.addi %squeeze3A_57, %mul3A_231 : i32
          %get3A_243 = arith.index_cast %add3A_242 : i32 to index
          %get3A_244 = tpu.vector_load %arg6[%get3A_243] {strides = array<i32>} : memref<8192xf32, #tpu.memory_space<vmem>>, vector<16xf32>,
          %get3A_245 = vector.shape_cast %get3A_244 : vector<16xf32> to vector<16xf32>
          %mul3A_246 = vector.broadcast %squeeze3A_25 : f32 to vector<16xf32>
          %mul3A_247 = arith.mulf %mul3A_246, %get3A_245 : vector<16xf32>
          %add3A_248 = arith.addf %add3A_241, %mul3A_247 : vector<16xf32>
          %add3A_249 = arith.addi %squeeze3A_59, %mul3A_231 : i32
          %get3A_250 = arith.index_cast %add3A_249 : i32 to index
          %get3A_251 = tpu.vector_load %arg6[%get3A_250] {strides = array<i32>} : memref<8192xf32, #tpu.memory_space<vmem>>, vector<16xf32>,
          %get3A_252 = vector.shape_cast %get3A_251 : vector<16xf32> to vector<16xf32>
          %mul3A_253 = vector.broadcast %squeeze3A_27 : f32 to vector<16xf32>
          %mul3A_254 = arith.mulf %mul3A_253, %get3A_252 : vector<16xf32>
          %add3A_255 = arith.addf %add3A_248, %mul3A_254 : vector<16xf32>
          %add3A_256 = arith.addi %squeeze3A_61, %mul3A_231 : i32
          %get3A_257 = arith.index_cast %add3A_256 : i32 to index
          %get3A_258 = tpu.vector_load %arg6[%get3A_257] {strides = array<i32>} : memref<8192xf32, #tpu.memory_space<vmem>>, vector<16xf32>,
          %get3A_259 = vector.shape_cast %get3A_258 : vector<16xf32> to vector<16xf32>
          %mul3A_260 = vector.broadcast %squeeze3A_29 : f32 to vector<16xf32>
          %mul3A_261 = arith.mulf %mul3A_260, %get3A_259 : vector<16xf32>
          %add3A_262 = arith.addf %add3A_255, %mul3A_261 : vector<16xf32>
          %swap3A_263 = arith.index_cast %mul3A_231 : i32 to index
          %swap3A_264 = tpu.vector_load %arg7[%swap3A_263] {strides = array<i32>} : memref<4096xf32, #tpu.memory_space<vmem>>, vector<16xf32>,
          %swap3A_265 = vector.shape_cast %swap3A_264 : vector<16xf32> to vector<16xf32>
          %swap3A_266 = vector.shape_cast %add3A_262 : vector<16xf32> to vector<16xf32>
          tpu.vector_store %arg7[%swap3A_263], %swap3A_266 {strides = array<i32>} : memref<4096xf32, #tpu.memory_space<vmem>>, vector<16xf32>,
        }
        %scan3A_96 = arith.constant 256 : i32
      } else {
      }
      %ge3A_84 = arith.cmpf oge, %squeeze3A_31, %scan3A_3 : f32
      %convert_element_type3A_85 = arith.extui %ge3A_84 : i1 to i32
      %cond3A_86 = arith.constant 0 : i32
      %cond3A_87 = arith.cmpi ne, %convert_element_type3A_85, %cond3A_86 : i32
      scf.if %cond3A_87 {
        %scan3A_92 = arith.constant 0 : i32
        %scan3A_93 = arith.constant 256 : i32
        %scan3A_94 = arith.addi %scan3A_92, %scan3A_93 : i32
        %scan3A_95 = arith.constant 4 : i32
        scf.for %scan3A_97 = %scan3A_92 to %scan3A_94 step %scan3A_95  : i32 {
          %mul3A_98 = arith.constant 1 : i32
          %mul3A_99 = arith.muli %scan3A_97, %mul3A_98 : i32
          %add3A_100 = arith.constant 0 : i32
          %add3A_101 = arith.addi %add3A_100, %mul3A_99 : i32
          %mul3A_102 = arith.constant 16 : i32
          %mul3A_103 = arith.muli %add3A_101, %mul3A_102 : i32
          %get3A_104 = arith.index_cast %mul3A_103 : i32 to index
          %get3A_105 = tpu.vector_load %arg7[%get3A_104] {strides = array<i32>} : memref<4096xf32, #tpu.memory_space<vmem>>, vector<16xf32>,
          %get3A_106 = vector.shape_cast %get3A_105 : vector<16xf32> to vector<16xf32>
          %add3A_107 = arith.addi %squeeze3A_63, %mul3A_103 : i32
          %get3A_108 = arith.index_cast %add3A_107 : i32 to index
          %get3A_109 = tpu.vector_load %arg6[%get3A_108] {strides = array<i32>} : memref<8192xf32, #tpu.memory_space<vmem>>, vector<16xf32>,
          %get3A_110 = vector.shape_cast %get3A_109 : vector<16xf32> to vector<16xf32>
          %mul3A_111 = vector.broadcast %squeeze3A_31 : f32 to vector<16xf32>
          %mul3A_112 = arith.mulf %mul3A_111, %get3A_110 : vector<16xf32>
          %add3A_113 = arith.addf %get3A_106, %mul3A_112 : vector<16xf32>
          %add3A_114 = arith.addi %squeeze3A_65, %mul3A_103 : i32
          %get3A_115 = arith.index_cast %add3A_114 : i32 to index
          %get3A_116 = tpu.vector_load %arg6[%get3A_115] {strides = array<i32>} : memref<8192xf32, #tpu.memory_space<vmem>>, vector<16xf32>,
          %get3A_117 = vector.shape_cast %get3A_116 : vector<16xf32> to vector<16xf32>
          %mul3A_118 = vector.broadcast %squeeze3A_33 : f32 to vector<16xf32>
          %mul3A_119 = arith.mulf %mul3A_118, %get3A_117 : vector<16xf32>
          %add3A_120 = arith.addf %add3A_113, %mul3A_119 : vector<16xf32>
          %add3A_121 = arith.addi %squeeze3A_67, %mul3A_103 : i32
          %get3A_122 = arith.index_cast %add3A_121 : i32 to index
          %get3A_123 = tpu.vector_load %arg6[%get3A_122] {strides = array<i32>} : memref<8192xf32, #tpu.memory_space<vmem>>, vector<16xf32>,
          %get3A_124 = vector.shape_cast %get3A_123 : vector<16xf32> to vector<16xf32>
          %mul3A_125 = vector.broadcast %squeeze3A_35 : f32 to vector<16xf32>
          %mul3A_126 = arith.mulf %mul3A_125, %get3A_124 : vector<16xf32>
          %add3A_127 = arith.addf %add3A_120, %mul3A_126 : vector<16xf32>
          %add3A_128 = arith.addi %squeeze3A_69, %mul3A_103 : i32
          %get3A_129 = arith.index_cast %add3A_128 : i32 to index
          %get3A_130 = tpu.vector_load %arg6[%get3A_129] {strides = array<i32>} : memref<8192xf32, #tpu.memory_space<vmem>>, vector<16xf32>,
          %get3A_131 = vector.shape_cast %get3A_130 : vector<16xf32> to vector<16xf32>
          %mul3A_132 = vector.broadcast %squeeze3A_37 : f32 to vector<16xf32>
          %mul3A_133 = arith.mulf %mul3A_132, %get3A_131 : vector<16xf32>
          %add3A_134 = arith.addf %add3A_127, %mul3A_133 : vector<16xf32>
          %swap3A = arith.index_cast %mul3A_103 : i32 to index
          %swap3A_135 = tpu.vector_load %arg7[%swap3A] {strides = array<i32>} : memref<4096xf32, #tpu.memory_space<vmem>>, vector<16xf32>,
          %swap3A_136 = vector.shape_cast %swap3A_135 : vector<16xf32> to vector<16xf32>
          %swap3A_137 = vector.shape_cast %add3A_134 : vector<16xf32> to vector<16xf32>
          tpu.vector_store %arg7[%swap3A], %swap3A_137 {strides = array<i32>} : memref<4096xf32, #tpu.memory_space<vmem>>, vector<16xf32>,
          %scan3A_138 = arith.constant 1 : i32
          %scan3A_139 = arith.addi %scan3A_97, %scan3A_138 : i32
          %mul3A_140 = arith.constant 1 : i32
          %mul3A_141 = arith.muli %scan3A_139, %mul3A_140 : i32
          %add3A_142 = arith.constant 0 : i32
          %add3A_143 = arith.addi %add3A_142, %mul3A_141 : i32
          %mul3A_144 = arith.constant 16 : i32
          %mul3A_145 = arith.muli %add3A_143, %mul3A_144 : i32
          %get3A_146 = arith.index_cast %mul3A_145 : i32 to index
          %get3A_147 = tpu.vector_load %arg7[%get3A_146] {strides = array<i32>} : memref<4096xf32, #tpu.memory_space<vmem>>, vector<16xf32>,
          %get3A_148 = vector.shape_cast %get3A_147 : vector<16xf32> to vector<16xf32>
          %add3A_149 = arith.addi %squeeze3A_63, %mul3A_145 : i32
          %get3A_150 = arith.index_cast %add3A_149 : i32 to index
          %get3A_151 = tpu.vector_load %arg6[%get3A_150] {strides = array<i32>} : memref<8192xf32, #tpu.memory_space<vmem>>, vector<16xf32>,
          %get3A_152 = vector.shape_cast %get3A_151 : vector<16xf32> to vector<16xf32>
          %mul3A_153 = vector.broadcast %squeeze3A_31 : f32 to vector<16xf32>
          %mul3A_154 = arith.mulf %mul3A_153, %get3A_152 : vector<16xf32>
          %add3A_155 = arith.addf %get3A_148, %mul3A_154 : vector<16xf32>
          %add3A_156 = arith.addi %squeeze3A_65, %mul3A_145 : i32
          %get3A_157 = arith.index_cast %add3A_156 : i32 to index
          %get3A_158 = tpu.vector_load %arg6[%get3A_157] {strides = array<i32>} : memref<8192xf32, #tpu.memory_space<vmem>>, vector<16xf32>,
          %get3A_159 = vector.shape_cast %get3A_158 : vector<16xf32> to vector<16xf32>
          %mul3A_160 = vector.broadcast %squeeze3A_33 : f32 to vector<16xf32>
          %mul3A_161 = arith.mulf %mul3A_160, %get3A_159 : vector<16xf32>
          %add3A_162 = arith.addf %add3A_155, %mul3A_161 : vector<16xf32>
          %add3A_163 = arith.addi %squeeze3A_67, %mul3A_145 : i32
          %get3A_164 = arith.index_cast %add3A_163 : i32 to index
          %get3A_165 = tpu.vector_load %arg6[%get3A_164] {strides = array<i32>} : memref<8192xf32, #tpu.memory_space<vmem>>, vector<16xf32>,
          %get3A_166 = vector.shape_cast %get3A_165 : vector<16xf32> to vector<16xf32>
          %mul3A_167 = vector.broadcast %squeeze3A_35 : f32 to vector<16xf32>
          %mul3A_168 = arith.mulf %mul3A_167, %get3A_166 : vector<16xf32>
          %add3A_169 = arith.addf %add3A_162, %mul3A_168 : vector<16xf32>
          %add3A_170 = arith.addi %squeeze3A_69, %mul3A_145 : i32
          %get3A_171 = arith.index_cast %add3A_170 : i32 to index
          %get3A_172 = tpu.vector_load %arg6[%get3A_171] {strides = array<i32>} : memref<8192xf32, #tpu.memory_space<vmem>>, vector<16xf32>,
          %get3A_173 = vector.shape_cast %get3A_172 : vector<16xf32> to vector<16xf32>
          %mul3A_174 = vector.broadcast %squeeze3A_37 : f32 to vector<16xf32>
          %mul3A_175 = arith.mulf %mul3A_174, %get3A_173 : vector<16xf32>
          %add3A_176 = arith.addf %add3A_169, %mul3A_175 : vector<16xf32>
          %swap3A_177 = arith.index_cast %mul3A_145 : i32 to index
          %swap3A_178 = tpu.vector_load %arg7[%swap3A_177] {strides = array<i32>} : memref<4096xf32, #tpu.memory_space<vmem>>, vector<16xf32>,
          %swap3A_179 = vector.shape_cast %swap3A_178 : vector<16xf32> to vector<16xf32>
          %swap3A_180 = vector.shape_cast %add3A_176 : vector<16xf32> to vector<16xf32>
          tpu.vector_store %arg7[%swap3A_177], %swap3A_180 {strides = array<i32>} : memref<4096xf32, #tpu.memory_space<vmem>>, vector<16xf32>,
          %scan3A_181 = arith.constant 2 : i32
          %scan3A_182 = arith.addi %scan3A_97, %scan3A_181 : i32
          %mul3A_183 = arith.constant 1 : i32
          %mul3A_184 = arith.muli %scan3A_182, %mul3A_183 : i32
          %add3A_185 = arith.constant 0 : i32
          %add3A_186 = arith.addi %add3A_185, %mul3A_184 : i32
          %mul3A_187 = arith.constant 16 : i32
          %mul3A_188 = arith.muli %add3A_186, %mul3A_187 : i32
          %get3A_189 = arith.index_cast %mul3A_188 : i32 to index
          %get3A_190 = tpu.vector_load %arg7[%get3A_189] {strides = array<i32>} : memref<4096xf32, #tpu.memory_space<vmem>>, vector<16xf32>,
          %get3A_191 = vector.shape_cast %get3A_190 : vector<16xf32> to vector<16xf32>
          %add3A_192 = arith.addi %squeeze3A_63, %mul3A_188 : i32
          %get3A_193 = arith.index_cast %add3A_192 : i32 to index
          %get3A_194 = tpu.vector_load %arg6[%get3A_193] {strides = array<i32>} : memref<8192xf32, #tpu.memory_space<vmem>>, vector<16xf32>,
          %get3A_195 = vector.shape_cast %get3A_194 : vector<16xf32> to vector<16xf32>
          %mul3A_196 = vector.broadcast %squeeze3A_31 : f32 to vector<16xf32>
          %mul3A_197 = arith.mulf %mul3A_196, %get3A_195 : vector<16xf32>
          %add3A_198 = arith.addf %get3A_191, %mul3A_197 : vector<16xf32>
          %add3A_199 = arith.addi %squeeze3A_65, %mul3A_188 : i32
          %get3A_200 = arith.index_cast %add3A_199 : i32 to index
          %get3A_201 = tpu.vector_load %arg6[%get3A_200] {strides = array<i32>} : memref<8192xf32, #tpu.memory_space<vmem>>, vector<16xf32>,
          %get3A_202 = vector.shape_cast %get3A_201 : vector<16xf32> to vector<16xf32>
          %mul3A_203 = vector.broadcast %squeeze3A_33 : f32 to vector<16xf32>
          %mul3A_204 = arith.mulf %mul3A_203, %get3A_202 : vector<16xf32>
          %add3A_205 = arith.addf %add3A_198, %mul3A_204 : vector<16xf32>
          %add3A_206 = arith.addi %squeeze3A_67, %mul3A_188 : i32
          %get3A_207 = arith.index_cast %add3A_206 : i32 to index
          %get3A_208 = tpu.vector_load %arg6[%get3A_207] {strides = array<i32>} : memref<8192xf32, #tpu.memory_space<vmem>>, vector<16xf32>,
          %get3A_209 = vector.shape_cast %get3A_208 : vector<16xf32> to vector<16xf32>
          %mul3A_210 = vector.broadcast %squeeze3A_35 : f32 to vector<16xf32>
          %mul3A_211 = arith.mulf %mul3A_210, %get3A_209 : vector<16xf32>
          %add3A_212 = arith.addf %add3A_205, %mul3A_211 : vector<16xf32>
          %add3A_213 = arith.addi %squeeze3A_69, %mul3A_188 : i32
          %get3A_214 = arith.index_cast %add3A_213 : i32 to index
          %get3A_215 = tpu.vector_load %arg6[%get3A_214] {strides = array<i32>} : memref<8192xf32, #tpu.memory_space<vmem>>, vector<16xf32>,
          %get3A_216 = vector.shape_cast %get3A_215 : vector<16xf32> to vector<16xf32>
          %mul3A_217 = vector.broadcast %squeeze3A_37 : f32 to vector<16xf32>
          %mul3A_218 = arith.mulf %mul3A_217, %get3A_216 : vector<16xf32>
          %add3A_219 = arith.addf %add3A_212, %mul3A_218 : vector<16xf32>
          %swap3A_220 = arith.index_cast %mul3A_188 : i32 to index
          %swap3A_221 = tpu.vector_load %arg7[%swap3A_220] {strides = array<i32>} : memref<4096xf32, #tpu.memory_space<vmem>>, vector<16xf32>,
          %swap3A_222 = vector.shape_cast %swap3A_221 : vector<16xf32> to vector<16xf32>
          %swap3A_223 = vector.shape_cast %add3A_219 : vector<16xf32> to vector<16xf32>
          tpu.vector_store %arg7[%swap3A_220], %swap3A_223 {strides = array<i32>} : memref<4096xf32, #tpu.memory_space<vmem>>, vector<16xf32>,
          %scan3A_224 = arith.constant 3 : i32
          %scan3A_225 = arith.addi %scan3A_97, %scan3A_224 : i32
          %mul3A_226 = arith.constant 1 : i32
          %mul3A_227 = arith.muli %scan3A_225, %mul3A_226 : i32
          %add3A_228 = arith.constant 0 : i32
          %add3A_229 = arith.addi %add3A_228, %mul3A_227 : i32
          %mul3A_230 = arith.constant 16 : i32
          %mul3A_231 = arith.muli %add3A_229, %mul3A_230 : i32
          %get3A_232 = arith.index_cast %mul3A_231 : i32 to index
          %get3A_233 = tpu.vector_load %arg7[%get3A_232] {strides = array<i32>} : memref<4096xf32, #tpu.memory_space<vmem>>, vector<16xf32>,
          %get3A_234 = vector.shape_cast %get3A_233 : vector<16xf32> to vector<16xf32>
          %add3A_235 = arith.addi %squeeze3A_63, %mul3A_231 : i32
          %get3A_236 = arith.index_cast %add3A_235 : i32 to index
          %get3A_237 = tpu.vector_load %arg6[%get3A_236] {strides = array<i32>} : memref<8192xf32, #tpu.memory_space<vmem>>, vector<16xf32>,
          %get3A_238 = vector.shape_cast %get3A_237 : vector<16xf32> to vector<16xf32>
          %mul3A_239 = vector.broadcast %squeeze3A_31 : f32 to vector<16xf32>
          %mul3A_240 = arith.mulf %mul3A_239, %get3A_238 : vector<16xf32>
          %add3A_241 = arith.addf %get3A_234, %mul3A_240 : vector<16xf32>
          %add3A_242 = arith.addi %squeeze3A_65, %mul3A_231 : i32
          %get3A_243 = arith.index_cast %add3A_242 : i32 to index
          %get3A_244 = tpu.vector_load %arg6[%get3A_243] {strides = array<i32>} : memref<8192xf32, #tpu.memory_space<vmem>>, vector<16xf32>,
          %get3A_245 = vector.shape_cast %get3A_244 : vector<16xf32> to vector<16xf32>
          %mul3A_246 = vector.broadcast %squeeze3A_33 : f32 to vector<16xf32>
          %mul3A_247 = arith.mulf %mul3A_246, %get3A_245 : vector<16xf32>
          %add3A_248 = arith.addf %add3A_241, %mul3A_247 : vector<16xf32>
          %add3A_249 = arith.addi %squeeze3A_67, %mul3A_231 : i32
          %get3A_250 = arith.index_cast %add3A_249 : i32 to index
          %get3A_251 = tpu.vector_load %arg6[%get3A_250] {strides = array<i32>} : memref<8192xf32, #tpu.memory_space<vmem>>, vector<16xf32>,
          %get3A_252 = vector.shape_cast %get3A_251 : vector<16xf32> to vector<16xf32>
          %mul3A_253 = vector.broadcast %squeeze3A_35 : f32 to vector<16xf32>
          %mul3A_254 = arith.mulf %mul3A_253, %get3A_252 : vector<16xf32>
          %add3A_255 = arith.addf %add3A_248, %mul3A_254 : vector<16xf32>
          %add3A_256 = arith.addi %squeeze3A_69, %mul3A_231 : i32
          %get3A_257 = arith.index_cast %add3A_256 : i32 to index
          %get3A_258 = tpu.vector_load %arg6[%get3A_257] {strides = array<i32>} : memref<8192xf32, #tpu.memory_space<vmem>>, vector<16xf32>,
          %get3A_259 = vector.shape_cast %get3A_258 : vector<16xf32> to vector<16xf32>
          %mul3A_260 = vector.broadcast %squeeze3A_37 : f32 to vector<16xf32>
          %mul3A_261 = arith.mulf %mul3A_260, %get3A_259 : vector<16xf32>
          %add3A_262 = arith.addf %add3A_255, %mul3A_261 : vector<16xf32>
          %swap3A_263 = arith.index_cast %mul3A_231 : i32 to index
          %swap3A_264 = tpu.vector_load %arg7[%swap3A_263] {strides = array<i32>} : memref<4096xf32, #tpu.memory_space<vmem>>, vector<16xf32>,
          %swap3A_265 = vector.shape_cast %swap3A_264 : vector<16xf32> to vector<16xf32>
          %swap3A_266 = vector.shape_cast %add3A_262 : vector<16xf32> to vector<16xf32>
          tpu.vector_store %arg7[%swap3A_263], %swap3A_266 {strides = array<i32>} : memref<4096xf32, #tpu.memory_space<vmem>>, vector<16xf32>,
        }
        %scan3A_96 = arith.constant 256 : i32
      } else {
      }
      %ge3A_88 = arith.cmpf oge, %squeeze3A_39, %scan3A_3 : f32
      %convert_element_type3A_89 = arith.extui %ge3A_88 : i1 to i32
      %cond3A_90 = arith.constant 0 : i32
      %cond3A_91 = arith.cmpi ne, %convert_element_type3A_89, %cond3A_90 : i32
      scf.if %cond3A_91 {
        %scan3A_92 = arith.constant 0 : i32
        %scan3A_93 = arith.constant 256 : i32
        %scan3A_94 = arith.addi %scan3A_92, %scan3A_93 : i32
        %scan3A_95 = arith.constant 4 : i32
        scf.for %scan3A_97 = %scan3A_92 to %scan3A_94 step %scan3A_95  : i32 {
          %mul3A_98 = arith.constant 1 : i32
          %mul3A_99 = arith.muli %scan3A_97, %mul3A_98 : i32
          %add3A_100 = arith.constant 0 : i32
          %add3A_101 = arith.addi %add3A_100, %mul3A_99 : i32
          %mul3A_102 = arith.constant 16 : i32
          %mul3A_103 = arith.muli %add3A_101, %mul3A_102 : i32
          %get3A_104 = arith.index_cast %mul3A_103 : i32 to index
          %get3A_105 = tpu.vector_load %arg7[%get3A_104] {strides = array<i32>} : memref<4096xf32, #tpu.memory_space<vmem>>, vector<16xf32>,
          %get3A_106 = vector.shape_cast %get3A_105 : vector<16xf32> to vector<16xf32>
          %add3A_107 = arith.addi %squeeze3A_71, %mul3A_103 : i32
          %get3A_108 = arith.index_cast %add3A_107 : i32 to index
          %get3A_109 = tpu.vector_load %arg6[%get3A_108] {strides = array<i32>} : memref<8192xf32, #tpu.memory_space<vmem>>, vector<16xf32>,
          %get3A_110 = vector.shape_cast %get3A_109 : vector<16xf32> to vector<16xf32>
          %mul3A_111 = vector.broadcast %squeeze3A_39 : f32 to vector<16xf32>
          %mul3A_112 = arith.mulf %mul3A_111, %get3A_110 : vector<16xf32>
          %add3A_113 = arith.addf %get3A_106, %mul3A_112 : vector<16xf32>
          %add3A_114 = arith.addi %squeeze3A_73, %mul3A_103 : i32
          %get3A_115 = arith.index_cast %add3A_114 : i32 to index
          %get3A_116 = tpu.vector_load %arg6[%get3A_115] {strides = array<i32>} : memref<8192xf32, #tpu.memory_space<vmem>>, vector<16xf32>,
          %get3A_117 = vector.shape_cast %get3A_116 : vector<16xf32> to vector<16xf32>
          %mul3A_118 = vector.broadcast %squeeze3A_41 : f32 to vector<16xf32>
          %mul3A_119 = arith.mulf %mul3A_118, %get3A_117 : vector<16xf32>
          %add3A_120 = arith.addf %add3A_113, %mul3A_119 : vector<16xf32>
          %add3A_121 = arith.addi %squeeze3A_75, %mul3A_103 : i32
          %get3A_122 = arith.index_cast %add3A_121 : i32 to index
          %get3A_123 = tpu.vector_load %arg6[%get3A_122] {strides = array<i32>} : memref<8192xf32, #tpu.memory_space<vmem>>, vector<16xf32>,
          %get3A_124 = vector.shape_cast %get3A_123 : vector<16xf32> to vector<16xf32>
          %mul3A_125 = vector.broadcast %squeeze3A_43 : f32 to vector<16xf32>
          %mul3A_126 = arith.mulf %mul3A_125, %get3A_124 : vector<16xf32>
          %add3A_127 = arith.addf %add3A_120, %mul3A_126 : vector<16xf32>
          %add3A_128 = arith.addi %squeeze3A_77, %mul3A_103 : i32
          %get3A_129 = arith.index_cast %add3A_128 : i32 to index
          %get3A_130 = tpu.vector_load %arg6[%get3A_129] {strides = array<i32>} : memref<8192xf32, #tpu.memory_space<vmem>>, vector<16xf32>,
          %get3A_131 = vector.shape_cast %get3A_130 : vector<16xf32> to vector<16xf32>
          %mul3A_132 = vector.broadcast %squeeze3A_45 : f32 to vector<16xf32>
          %mul3A_133 = arith.mulf %mul3A_132, %get3A_131 : vector<16xf32>
          %add3A_134 = arith.addf %add3A_127, %mul3A_133 : vector<16xf32>
          %swap3A = arith.index_cast %mul3A_103 : i32 to index
          %swap3A_135 = tpu.vector_load %arg7[%swap3A] {strides = array<i32>} : memref<4096xf32, #tpu.memory_space<vmem>>, vector<16xf32>,
          %swap3A_136 = vector.shape_cast %swap3A_135 : vector<16xf32> to vector<16xf32>
          %swap3A_137 = vector.shape_cast %add3A_134 : vector<16xf32> to vector<16xf32>
          tpu.vector_store %arg7[%swap3A], %swap3A_137 {strides = array<i32>} : memref<4096xf32, #tpu.memory_space<vmem>>, vector<16xf32>,
          %scan3A_138 = arith.constant 1 : i32
          %scan3A_139 = arith.addi %scan3A_97, %scan3A_138 : i32
          %mul3A_140 = arith.constant 1 : i32
          %mul3A_141 = arith.muli %scan3A_139, %mul3A_140 : i32
          %add3A_142 = arith.constant 0 : i32
          %add3A_143 = arith.addi %add3A_142, %mul3A_141 : i32
          %mul3A_144 = arith.constant 16 : i32
          %mul3A_145 = arith.muli %add3A_143, %mul3A_144 : i32
          %get3A_146 = arith.index_cast %mul3A_145 : i32 to index
          %get3A_147 = tpu.vector_load %arg7[%get3A_146] {strides = array<i32>} : memref<4096xf32, #tpu.memory_space<vmem>>, vector<16xf32>,
          %get3A_148 = vector.shape_cast %get3A_147 : vector<16xf32> to vector<16xf32>
          %add3A_149 = arith.addi %squeeze3A_71, %mul3A_145 : i32
          %get3A_150 = arith.index_cast %add3A_149 : i32 to index
          %get3A_151 = tpu.vector_load %arg6[%get3A_150] {strides = array<i32>} : memref<8192xf32, #tpu.memory_space<vmem>>, vector<16xf32>,
          %get3A_152 = vector.shape_cast %get3A_151 : vector<16xf32> to vector<16xf32>
          %mul3A_153 = vector.broadcast %squeeze3A_39 : f32 to vector<16xf32>
          %mul3A_154 = arith.mulf %mul3A_153, %get3A_152 : vector<16xf32>
          %add3A_155 = arith.addf %get3A_148, %mul3A_154 : vector<16xf32>
          %add3A_156 = arith.addi %squeeze3A_73, %mul3A_145 : i32
          %get3A_157 = arith.index_cast %add3A_156 : i32 to index
          %get3A_158 = tpu.vector_load %arg6[%get3A_157] {strides = array<i32>} : memref<8192xf32, #tpu.memory_space<vmem>>, vector<16xf32>,
          %get3A_159 = vector.shape_cast %get3A_158 : vector<16xf32> to vector<16xf32>
          %mul3A_160 = vector.broadcast %squeeze3A_41 : f32 to vector<16xf32>
          %mul3A_161 = arith.mulf %mul3A_160, %get3A_159 : vector<16xf32>
          %add3A_162 = arith.addf %add3A_155, %mul3A_161 : vector<16xf32>
          %add3A_163 = arith.addi %squeeze3A_75, %mul3A_145 : i32
          %get3A_164 = arith.index_cast %add3A_163 : i32 to index
          %get3A_165 = tpu.vector_load %arg6[%get3A_164] {strides = array<i32>} : memref<8192xf32, #tpu.memory_space<vmem>>, vector<16xf32>,
          %get3A_166 = vector.shape_cast %get3A_165 : vector<16xf32> to vector<16xf32>
          %mul3A_167 = vector.broadcast %squeeze3A_43 : f32 to vector<16xf32>
          %mul3A_168 = arith.mulf %mul3A_167, %get3A_166 : vector<16xf32>
          %add3A_169 = arith.addf %add3A_162, %mul3A_168 : vector<16xf32>
          %add3A_170 = arith.addi %squeeze3A_77, %mul3A_145 : i32
          %get3A_171 = arith.index_cast %add3A_170 : i32 to index
          %get3A_172 = tpu.vector_load %arg6[%get3A_171] {strides = array<i32>} : memref<8192xf32, #tpu.memory_space<vmem>>, vector<16xf32>,
          %get3A_173 = vector.shape_cast %get3A_172 : vector<16xf32> to vector<16xf32>
          %mul3A_174 = vector.broadcast %squeeze3A_45 : f32 to vector<16xf32>
          %mul3A_175 = arith.mulf %mul3A_174, %get3A_173 : vector<16xf32>
          %add3A_176 = arith.addf %add3A_169, %mul3A_175 : vector<16xf32>
          %swap3A_177 = arith.index_cast %mul3A_145 : i32 to index
          %swap3A_178 = tpu.vector_load %arg7[%swap3A_177] {strides = array<i32>} : memref<4096xf32, #tpu.memory_space<vmem>>, vector<16xf32>,
          %swap3A_179 = vector.shape_cast %swap3A_178 : vector<16xf32> to vector<16xf32>
          %swap3A_180 = vector.shape_cast %add3A_176 : vector<16xf32> to vector<16xf32>
          tpu.vector_store %arg7[%swap3A_177], %swap3A_180 {strides = array<i32>} : memref<4096xf32, #tpu.memory_space<vmem>>, vector<16xf32>,
          %scan3A_181 = arith.constant 2 : i32
          %scan3A_182 = arith.addi %scan3A_97, %scan3A_181 : i32
          %mul3A_183 = arith.constant 1 : i32
          %mul3A_184 = arith.muli %scan3A_182, %mul3A_183 : i32
          %add3A_185 = arith.constant 0 : i32
          %add3A_186 = arith.addi %add3A_185, %mul3A_184 : i32
          %mul3A_187 = arith.constant 16 : i32
          %mul3A_188 = arith.muli %add3A_186, %mul3A_187 : i32
          %get3A_189 = arith.index_cast %mul3A_188 : i32 to index
          %get3A_190 = tpu.vector_load %arg7[%get3A_189] {strides = array<i32>} : memref<4096xf32, #tpu.memory_space<vmem>>, vector<16xf32>,
          %get3A_191 = vector.shape_cast %get3A_190 : vector<16xf32> to vector<16xf32>
          %add3A_192 = arith.addi %squeeze3A_71, %mul3A_188 : i32
          %get3A_193 = arith.index_cast %add3A_192 : i32 to index
          %get3A_194 = tpu.vector_load %arg6[%get3A_193] {strides = array<i32>} : memref<8192xf32, #tpu.memory_space<vmem>>, vector<16xf32>,
          %get3A_195 = vector.shape_cast %get3A_194 : vector<16xf32> to vector<16xf32>
          %mul3A_196 = vector.broadcast %squeeze3A_39 : f32 to vector<16xf32>
          %mul3A_197 = arith.mulf %mul3A_196, %get3A_195 : vector<16xf32>
          %add3A_198 = arith.addf %get3A_191, %mul3A_197 : vector<16xf32>
          %add3A_199 = arith.addi %squeeze3A_73, %mul3A_188 : i32
          %get3A_200 = arith.index_cast %add3A_199 : i32 to index
          %get3A_201 = tpu.vector_load %arg6[%get3A_200] {strides = array<i32>} : memref<8192xf32, #tpu.memory_space<vmem>>, vector<16xf32>,
          %get3A_202 = vector.shape_cast %get3A_201 : vector<16xf32> to vector<16xf32>
          %mul3A_203 = vector.broadcast %squeeze3A_41 : f32 to vector<16xf32>
          %mul3A_204 = arith.mulf %mul3A_203, %get3A_202 : vector<16xf32>
          %add3A_205 = arith.addf %add3A_198, %mul3A_204 : vector<16xf32>
          %add3A_206 = arith.addi %squeeze3A_75, %mul3A_188 : i32
          %get3A_207 = arith.index_cast %add3A_206 : i32 to index
          %get3A_208 = tpu.vector_load %arg6[%get3A_207] {strides = array<i32>} : memref<8192xf32, #tpu.memory_space<vmem>>, vector<16xf32>,
          %get3A_209 = vector.shape_cast %get3A_208 : vector<16xf32> to vector<16xf32>
          %mul3A_210 = vector.broadcast %squeeze3A_43 : f32 to vector<16xf32>
          %mul3A_211 = arith.mulf %mul3A_210, %get3A_209 : vector<16xf32>
          %add3A_212 = arith.addf %add3A_205, %mul3A_211 : vector<16xf32>
          %add3A_213 = arith.addi %squeeze3A_77, %mul3A_188 : i32
          %get3A_214 = arith.index_cast %add3A_213 : i32 to index
          %get3A_215 = tpu.vector_load %arg6[%get3A_214] {strides = array<i32>} : memref<8192xf32, #tpu.memory_space<vmem>>, vector<16xf32>,
          %get3A_216 = vector.shape_cast %get3A_215 : vector<16xf32> to vector<16xf32>
          %mul3A_217 = vector.broadcast %squeeze3A_45 : f32 to vector<16xf32>
          %mul3A_218 = arith.mulf %mul3A_217, %get3A_216 : vector<16xf32>
          %add3A_219 = arith.addf %add3A_212, %mul3A_218 : vector<16xf32>
          %swap3A_220 = arith.index_cast %mul3A_188 : i32 to index
          %swap3A_221 = tpu.vector_load %arg7[%swap3A_220] {strides = array<i32>} : memref<4096xf32, #tpu.memory_space<vmem>>, vector<16xf32>,
          %swap3A_222 = vector.shape_cast %swap3A_221 : vector<16xf32> to vector<16xf32>
          %swap3A_223 = vector.shape_cast %add3A_219 : vector<16xf32> to vector<16xf32>
          tpu.vector_store %arg7[%swap3A_220], %swap3A_223 {strides = array<i32>} : memref<4096xf32, #tpu.memory_space<vmem>>, vector<16xf32>,
          %scan3A_224 = arith.constant 3 : i32
          %scan3A_225 = arith.addi %scan3A_97, %scan3A_224 : i32
          %mul3A_226 = arith.constant 1 : i32
          %mul3A_227 = arith.muli %scan3A_225, %mul3A_226 : i32
          %add3A_228 = arith.constant 0 : i32
          %add3A_229 = arith.addi %add3A_228, %mul3A_227 : i32
          %mul3A_230 = arith.constant 16 : i32
          %mul3A_231 = arith.muli %add3A_229, %mul3A_230 : i32
          %get3A_232 = arith.index_cast %mul3A_231 : i32 to index
          %get3A_233 = tpu.vector_load %arg7[%get3A_232] {strides = array<i32>} : memref<4096xf32, #tpu.memory_space<vmem>>, vector<16xf32>,
          %get3A_234 = vector.shape_cast %get3A_233 : vector<16xf32> to vector<16xf32>
          %add3A_235 = arith.addi %squeeze3A_71, %mul3A_231 : i32
          %get3A_236 = arith.index_cast %add3A_235 : i32 to index
          %get3A_237 = tpu.vector_load %arg6[%get3A_236] {strides = array<i32>} : memref<8192xf32, #tpu.memory_space<vmem>>, vector<16xf32>,
          %get3A_238 = vector.shape_cast %get3A_237 : vector<16xf32> to vector<16xf32>
          %mul3A_239 = vector.broadcast %squeeze3A_39 : f32 to vector<16xf32>
          %mul3A_240 = arith.mulf %mul3A_239, %get3A_238 : vector<16xf32>
          %add3A_241 = arith.addf %get3A_234, %mul3A_240 : vector<16xf32>
          %add3A_242 = arith.addi %squeeze3A_73, %mul3A_231 : i32
          %get3A_243 = arith.index_cast %add3A_242 : i32 to index
          %get3A_244 = tpu.vector_load %arg6[%get3A_243] {strides = array<i32>} : memref<8192xf32, #tpu.memory_space<vmem>>, vector<16xf32>,
          %get3A_245 = vector.shape_cast %get3A_244 : vector<16xf32> to vector<16xf32>
          %mul3A_246 = vector.broadcast %squeeze3A_41 : f32 to vector<16xf32>
          %mul3A_247 = arith.mulf %mul3A_246, %get3A_245 : vector<16xf32>
          %add3A_248 = arith.addf %add3A_241, %mul3A_247 : vector<16xf32>
          %add3A_249 = arith.addi %squeeze3A_75, %mul3A_231 : i32
          %get3A_250 = arith.index_cast %add3A_249 : i32 to index
          %get3A_251 = tpu.vector_load %arg6[%get3A_250] {strides = array<i32>} : memref<8192xf32, #tpu.memory_space<vmem>>, vector<16xf32>,
          %get3A_252 = vector.shape_cast %get3A_251 : vector<16xf32> to vector<16xf32>
          %mul3A_253 = vector.broadcast %squeeze3A_43 : f32 to vector<16xf32>
          %mul3A_254 = arith.mulf %mul3A_253, %get3A_252 : vector<16xf32>
          %add3A_255 = arith.addf %add3A_248, %mul3A_254 : vector<16xf32>
          %add3A_256 = arith.addi %squeeze3A_77, %mul3A_231 : i32
          %get3A_257 = arith.index_cast %add3A_256 : i32 to index
          %get3A_258 = tpu.vector_load %arg6[%get3A_257] {strides = array<i32>} : memref<8192xf32, #tpu.memory_space<vmem>>, vector<16xf32>,
          %get3A_259 = vector.shape_cast %get3A_258 : vector<16xf32> to vector<16xf32>
          %mul3A_260 = vector.broadcast %squeeze3A_45 : f32 to vector<16xf32>
          %mul3A_261 = arith.mulf %mul3A_260, %get3A_259 : vector<16xf32>
          %add3A_262 = arith.addf %add3A_255, %mul3A_261 : vector<16xf32>
          %swap3A_263 = arith.index_cast %mul3A_231 : i32 to index
          %swap3A_264 = tpu.vector_load %arg7[%swap3A_263] {strides = array<i32>} : memref<4096xf32, #tpu.memory_space<vmem>>, vector<16xf32>,
          %swap3A_265 = vector.shape_cast %swap3A_264 : vector<16xf32> to vector<16xf32>
          %swap3A_266 = vector.shape_cast %add3A_262 : vector<16xf32> to vector<16xf32>
          tpu.vector_store %arg7[%swap3A_263], %swap3A_266 {strides = array<i32>} : memref<4096xf32, #tpu.memory_space<vmem>>, vector<16xf32>,
        }
        %scan3A_96 = arith.constant 256 : i32
      } else {
      }
      "tpu.region"() ({
        %run_scoped3A = tpu.sem_alloc : memref<!tpu.dma_semaphore, #tpu.memory_space<semaphore_mem>>
        %dma_start3A = arith.constant 0 : i32
        %dma_start3A_92 = tpu.memref_slice %arg5[%add3A_10, %dma_start3A] : memref<1536x4096xf32, #tpu.memory_space<hbm>> -> memref<1x4096xf32, #tpu.memory_space<hbm>>
        %dma_start3A_93 = tpu.memref_squeeze %dma_start3A_92 : memref<1x4096xf32, #tpu.memory_space<hbm>> -> memref<4096xf32, #tpu.memory_space<hbm>>
        %dma_start3A_94 = arith.constant 0 : i32
        %dma_start3A_95 = tpu.memref_slice %arg5[%add3A_10, %dma_start3A_94] : memref<1536x4096xf32, #tpu.memory_space<hbm>> -> memref<1x4096xf32, #tpu.memory_space<hbm>>
        %dma_start3A_96 = tpu.memref_squeeze %dma_start3A_95 : memref<1x4096xf32, #tpu.memory_space<hbm>> -> memref<4096xf32, #tpu.memory_space<hbm>>
        tpu.enqueue_dma source(%arg7 : memref<4096xf32, #tpu.memory_space<vmem>>) target(%dma_start3A_96 : memref<4096xf32, #tpu.memory_space<hbm>>) target_semaphore(%run_scoped3A : memref<!tpu.dma_semaphore, #tpu.memory_space<semaphore_mem>>)
        %dma_wait3A = arith.constant 0 : i32
        %dma_wait3A_97 = tpu.memref_slice %arg5[%add3A_10, %dma_wait3A] : memref<1536x4096xf32, #tpu.memory_space<hbm>> -> memref<1x4096xf32, #tpu.memory_space<hbm>>
        %dma_wait3A_98 = tpu.memref_squeeze %dma_wait3A_97 : memref<1x4096xf32, #tpu.memory_space<hbm>> -> memref<4096xf32, #tpu.memory_space<hbm>>
        %dma_wait3A_99 = arith.constant 0 : i32
        %dma_wait3A_100 = tpu.memref_slice %arg5[%add3A_10, %dma_wait3A_99] : memref<1536x4096xf32, #tpu.memory_space<hbm>> -> memref<1x4096xf32, #tpu.memory_space<hbm>>
        %dma_wait3A_101 = tpu.memref_squeeze %dma_wait3A_100 : memref<1x4096xf32, #tpu.memory_space<hbm>> -> memref<4096xf32, #tpu.memory_space<hbm>>
        tpu.wait_dma2 semaphore(%run_scoped3A : memref<!tpu.dma_semaphore, #tpu.memory_space<semaphore_mem>>) src(%arg7 : memref<4096xf32, #tpu.memory_space<vmem>>) dst(%dma_wait3A_101 : memref<4096xf32, #tpu.memory_space<hbm>>)
        tpu.yield
      }) : () -> ()
    }
    %scan3A_8 = arith.constant 48 : i32
    return
  }
}

module attributes {stable_mosaic.version = 14 : i64} {
  func.func @_corr_fwd(%arg0: i32, %arg1: i32, %arg2: i32, %arg3: memref<1x4096x128xf32, #tpu.memory_space<vmem>>, %arg4: memref<1x4096x128xf32, #tpu.memory_space<vmem>>, %arg5: memref<4096x256xbf16, #tpu.memory_space<vmem>>, %arg6: memref<4096x256xbf16, #tpu.memory_space<vmem>>, %arg7: memref<4096x256xbf16, #tpu.memory_space<vmem>>, %arg8: memref<4096x256xbf16, #tpu.memory_space<vmem>>, %arg9: memref<1x128x256xf32, #tpu.memory_space<vmem>>, %arg10: memref<1x128x256xf32, #tpu.memory_space<vmem>>) attributes {dimension_semantics = [#tpu.dimension_semantics<arbitrary>, #tpu.dimension_semantics<arbitrary>, #tpu.dimension_semantics<arbitrary>], iteration_bounds = array<i64: 2, 6, 9>, scalar_prefetch = 0 : i64, scratch_operands = 0 : i64, tpu.core_type = #tpu.core_type<tc>, window_params = [{transform_indices = @transform_0, window_bounds = array<i64: 1, 4096, 128>}, {transform_indices = @transform_1, window_bounds = array<i64: 1, 4096, 128>}, {transform_indices = @transform_2, window_bounds = array<i64: 4096, 256>}, {transform_indices = @transform_3, window_bounds = array<i64: 4096, 256>}, {transform_indices = @transform_4, window_bounds = array<i64: 4096, 256>}, {transform_indices = @transform_5, window_bounds = array<i64: 4096, 256>}, {transform_indices = @transform_6, window_bounds = array<i64: 1, 128, 256>}, {transform_indices = @transform_7, window_bounds = array<i64: 1, 128, 256>}]} {
    %get3A = arith.constant 0 : index
    %get3A_0 = arith.constant 0 : index
    %get3A_1 = arith.constant 0 : index
    %get3A_2 = vector.load %arg3[%get3A, %get3A_0, %get3A_1] : memref<1x4096x128xf32, #tpu.memory_space<vmem>>, vector<1x4096x128xf32>
    %get3A_3 = vector.shape_cast %get3A_2 : vector<1x4096x128xf32> to vector<4096x128xf32>
    %convert_element_type3A = arith.truncf %get3A_3 : vector<4096x128xf32> to vector<4096x128xbf16>
    %convert_element_type3A_4 = arith.extf %convert_element_type3A : vector<4096x128xbf16> to vector<4096x128xf32>
    %sub3A = arith.subf %get3A_3, %convert_element_type3A_4 : vector<4096x128xf32>
    %convert_element_type3A_5 = arith.truncf %sub3A : vector<4096x128xf32> to vector<4096x128xbf16>
    %get3A_6 = arith.constant 0 : index
    %get3A_7 = arith.constant 0 : index
    %get3A_8 = arith.constant 0 : index
    %get3A_9 = vector.load %arg4[%get3A_6, %get3A_7, %get3A_8] : memref<1x4096x128xf32, #tpu.memory_space<vmem>>, vector<1x4096x128xf32>
    %get3A_10 = vector.shape_cast %get3A_9 : vector<1x4096x128xf32> to vector<4096x128xf32>
    %convert_element_type3A_11 = arith.truncf %get3A_10 : vector<4096x128xf32> to vector<4096x128xbf16>
    %convert_element_type3A_12 = arith.extf %convert_element_type3A_11 : vector<4096x128xbf16> to vector<4096x128xf32>
    %sub3A_13 = arith.subf %get3A_10, %convert_element_type3A_12 : vector<4096x128xf32>
    %convert_element_type3A_14 = arith.truncf %sub3A_13 : vector<4096x128xf32> to vector<4096x128xbf16>
    %get3A_15 = arith.constant 0 : index
    %get3A_16 = arith.constant 0 : index
    %get3A_17 = vector.load %arg5[%get3A_15, %get3A_16] : memref<4096x256xbf16, #tpu.memory_space<vmem>>, vector<4096x256xbf16>
    %get3A_18 = arith.constant 0 : index
    %get3A_19 = arith.constant 0 : index
    %get3A_20 = vector.load %arg6[%get3A_18, %get3A_19] : memref<4096x256xbf16, #tpu.memory_space<vmem>>, vector<4096x256xbf16>
    %get3A_21 = arith.constant 0 : index
    %get3A_22 = arith.constant 0 : index
    %get3A_23 = vector.load %arg7[%get3A_21, %get3A_22] : memref<4096x256xbf16, #tpu.memory_space<vmem>>, vector<4096x256xbf16>
    %get3A_24 = arith.constant 0 : index
    %get3A_25 = arith.constant 0 : index
    %get3A_26 = vector.load %arg8[%get3A_24, %get3A_25] : memref<4096x256xbf16, #tpu.memory_space<vmem>>, vector<4096x256xbf16>
    %dot_general3A = arith.constant dense<0.000000e+00> : vector<128x256xf32>
    %dot_general3A_27 = tpu.matmul %convert_element_type3A, %get3A_17, %dot_general3A {dimension_numbers = #tpu.dot_dimension_numbers<[0], [0], [1], [1], [0, 1, 1, 1], [], []>, transpose_lhs_hint = false} : vector<4096x128xbf16>, vector<4096x256xbf16>, vector<128x256xf32> -> vector<128x256xf32>
    %dot_general3A_28 = arith.constant dense<0.000000e+00> : vector<128x256xf32>
    %dot_general3A_29 = tpu.matmul %convert_element_type3A, %get3A_20, %dot_general3A_28 {dimension_numbers = #tpu.dot_dimension_numbers<[0], [0], [1], [1], [0, 1, 1, 1], [], []>, transpose_lhs_hint = false} : vector<4096x128xbf16>, vector<4096x256xbf16>, vector<128x256xf32> -> vector<128x256xf32>
    %add3A = arith.addf %dot_general3A_27, %dot_general3A_29 : vector<128x256xf32>
    %dot_general3A_30 = arith.constant dense<0.000000e+00> : vector<128x256xf32>
    %dot_general3A_31 = tpu.matmul %convert_element_type3A_5, %get3A_17, %dot_general3A_30 {dimension_numbers = #tpu.dot_dimension_numbers<[0], [0], [1], [1], [0, 1, 1, 1], [], []>, transpose_lhs_hint = false} : vector<4096x128xbf16>, vector<4096x256xbf16>, vector<128x256xf32> -> vector<128x256xf32>
    %add3A_32 = arith.addf %add3A, %dot_general3A_31 : vector<128x256xf32>
    %dot_general3A_33 = arith.constant dense<0.000000e+00> : vector<128x256xf32>
    %dot_general3A_34 = tpu.matmul %convert_element_type3A, %get3A_23, %dot_general3A_33 {dimension_numbers = #tpu.dot_dimension_numbers<[0], [0], [1], [1], [0, 1, 1, 1], [], []>, transpose_lhs_hint = false} : vector<4096x128xbf16>, vector<4096x256xbf16>, vector<128x256xf32> -> vector<128x256xf32>
    %dot_general3A_35 = arith.constant dense<0.000000e+00> : vector<128x256xf32>
    %dot_general3A_36 = tpu.matmul %convert_element_type3A, %get3A_26, %dot_general3A_35 {dimension_numbers = #tpu.dot_dimension_numbers<[0], [0], [1], [1], [0, 1, 1, 1], [], []>, transpose_lhs_hint = false} : vector<4096x128xbf16>, vector<4096x256xbf16>, vector<128x256xf32> -> vector<128x256xf32>
    %add3A_37 = arith.addf %dot_general3A_34, %dot_general3A_36 : vector<128x256xf32>
    %dot_general3A_38 = arith.constant dense<0.000000e+00> : vector<128x256xf32>
    %dot_general3A_39 = tpu.matmul %convert_element_type3A_5, %get3A_23, %dot_general3A_38 {dimension_numbers = #tpu.dot_dimension_numbers<[0], [0], [1], [1], [0, 1, 1, 1], [], []>, transpose_lhs_hint = false} : vector<4096x128xbf16>, vector<4096x256xbf16>, vector<128x256xf32> -> vector<128x256xf32>
    %add3A_40 = arith.addf %add3A_37, %dot_general3A_39 : vector<128x256xf32>
    %dot_general3A_41 = arith.constant dense<0.000000e+00> : vector<128x256xf32>
    %dot_general3A_42 = tpu.matmul %convert_element_type3A_11, %get3A_17, %dot_general3A_41 {dimension_numbers = #tpu.dot_dimension_numbers<[0], [0], [1], [1], [0, 1, 1, 1], [], []>, transpose_lhs_hint = false} : vector<4096x128xbf16>, vector<4096x256xbf16>, vector<128x256xf32> -> vector<128x256xf32>
    %dot_general3A_43 = arith.constant dense<0.000000e+00> : vector<128x256xf32>
    %dot_general3A_44 = tpu.matmul %convert_element_type3A_11, %get3A_20, %dot_general3A_43 {dimension_numbers = #tpu.dot_dimension_numbers<[0], [0], [1], [1], [0, 1, 1, 1], [], []>, transpose_lhs_hint = false} : vector<4096x128xbf16>, vector<4096x256xbf16>, vector<128x256xf32> -> vector<128x256xf32>
    %add3A_45 = arith.addf %dot_general3A_42, %dot_general3A_44 : vector<128x256xf32>
    %dot_general3A_46 = arith.constant dense<0.000000e+00> : vector<128x256xf32>
    %dot_general3A_47 = tpu.matmul %convert_element_type3A_14, %get3A_17, %dot_general3A_46 {dimension_numbers = #tpu.dot_dimension_numbers<[0], [0], [1], [1], [0, 1, 1, 1], [], []>, transpose_lhs_hint = false} : vector<4096x128xbf16>, vector<4096x256xbf16>, vector<128x256xf32> -> vector<128x256xf32>
    %add3A_48 = arith.addf %add3A_45, %dot_general3A_47 : vector<128x256xf32>
    %dot_general3A_49 = arith.constant dense<0.000000e+00> : vector<128x256xf32>
    %dot_general3A_50 = tpu.matmul %convert_element_type3A_11, %get3A_23, %dot_general3A_49 {dimension_numbers = #tpu.dot_dimension_numbers<[0], [0], [1], [1], [0, 1, 1, 1], [], []>, transpose_lhs_hint = false} : vector<4096x128xbf16>, vector<4096x256xbf16>, vector<128x256xf32> -> vector<128x256xf32>
    %dot_general3A_51 = arith.constant dense<0.000000e+00> : vector<128x256xf32>
    %dot_general3A_52 = tpu.matmul %convert_element_type3A_11, %get3A_26, %dot_general3A_51 {dimension_numbers = #tpu.dot_dimension_numbers<[0], [0], [1], [1], [0, 1, 1, 1], [], []>, transpose_lhs_hint = false} : vector<4096x128xbf16>, vector<4096x256xbf16>, vector<128x256xf32> -> vector<128x256xf32>
    %add3A_53 = arith.addf %dot_general3A_50, %dot_general3A_52 : vector<128x256xf32>
    %dot_general3A_54 = arith.constant dense<0.000000e+00> : vector<128x256xf32>
    %dot_general3A_55 = tpu.matmul %convert_element_type3A_14, %get3A_23, %dot_general3A_54 {dimension_numbers = #tpu.dot_dimension_numbers<[0], [0], [1], [1], [0, 1, 1, 1], [], []>, transpose_lhs_hint = false} : vector<4096x128xbf16>, vector<4096x256xbf16>, vector<128x256xf32> -> vector<128x256xf32>
    %add3A_56 = arith.addf %add3A_53, %dot_general3A_55 : vector<128x256xf32>
    %mul3A = arith.mulf %add3A_32, %add3A_48 : vector<128x256xf32>
    %mul3A_57 = arith.mulf %add3A_40, %add3A_56 : vector<128x256xf32>
    %add3A_58 = arith.addf %mul3A, %mul3A_57 : vector<128x256xf32>
    %swap3A = arith.constant 0 : index
    %swap3A_59 = arith.constant 0 : index
    %swap3A_60 = arith.constant 0 : index
    %swap3A_61 = vector.load %arg9[%swap3A, %swap3A_59, %swap3A_60] : memref<1x128x256xf32, #tpu.memory_space<vmem>>, vector<1x128x256xf32>
    %swap3A_62 = vector.shape_cast %swap3A_61 : vector<1x128x256xf32> to vector<128x256xf32>
    %swap3A_63 = vector.shape_cast %add3A_58 : vector<128x256xf32> to vector<1x128x256xf32>
    tpu.vector_store %arg9[%swap3A, %swap3A_59, %swap3A_60], %swap3A_63 {strides = array<i32>} : memref<1x128x256xf32, #tpu.memory_space<vmem>>, vector<1x128x256xf32>,
    %mul3A_64 = arith.mulf %add3A_32, %add3A_56 : vector<128x256xf32>
    %mul3A_65 = arith.mulf %add3A_40, %add3A_48 : vector<128x256xf32>
    %sub3A_66 = arith.subf %mul3A_64, %mul3A_65 : vector<128x256xf32>
    %swap3A_67 = arith.constant 0 : index
    %swap3A_68 = arith.constant 0 : index
    %swap3A_69 = arith.constant 0 : index
    %swap3A_70 = vector.load %arg10[%swap3A_67, %swap3A_68, %swap3A_69] : memref<1x128x256xf32, #tpu.memory_space<vmem>>, vector<1x128x256xf32>
    %swap3A_71 = vector.shape_cast %swap3A_70 : vector<1x128x256xf32> to vector<128x256xf32>
    %swap3A_72 = vector.shape_cast %sub3A_66 : vector<128x256xf32> to vector<1x128x256xf32>
    tpu.vector_store %arg10[%swap3A_67, %swap3A_68, %swap3A_69], %swap3A_72 {strides = array<i32>} : memref<1x128x256xf32, #tpu.memory_space<vmem>>, vector<1x128x256xf32>,
    return
  }
  func.func @transform_0(%arg0: i32, %arg1: i32, %arg2: i32) -> (i32, i32, i32) {
    %c0_i32 = arith.constant 0 : i32
    %c0_i32_0 = arith.constant 0 : i32
    return %arg0, %c0_i32, %arg1 : i32, i32, i32
  }
  func.func @transform_1(%arg0: i32, %arg1: i32, %arg2: i32) -> (i32, i32, i32) {
    %c0_i32 = arith.constant 0 : i32
    %c0_i32_0 = arith.constant 0 : i32
    return %arg0, %c0_i32, %arg1 : i32, i32, i32
  }
  func.func @transform_2(%arg0: i32, %arg1: i32, %arg2: i32) -> (i32, i32) {
    %c0_i32 = arith.constant 0 : i32
    %c0_i32_0 = arith.constant 0 : i32
    return %c0_i32, %arg2 : i32, i32
  }
  func.func @transform_3(%arg0: i32, %arg1: i32, %arg2: i32) -> (i32, i32) {
    %c0_i32 = arith.constant 0 : i32
    %c0_i32_0 = arith.constant 0 : i32
    return %c0_i32, %arg2 : i32, i32
  }
  func.func @transform_4(%arg0: i32, %arg1: i32, %arg2: i32) -> (i32, i32) {
    %c0_i32 = arith.constant 0 : i32
    %c0_i32_0 = arith.constant 0 : i32
    return %c0_i32, %arg2 : i32, i32
  }
  func.func @transform_5(%arg0: i32, %arg1: i32, %arg2: i32) -> (i32, i32) {
    %c0_i32 = arith.constant 0 : i32
    %c0_i32_0 = arith.constant 0 : i32
    return %c0_i32, %arg2 : i32, i32
  }
  func.func @transform_6(%arg0: i32, %arg1: i32, %arg2: i32) -> (i32, i32, i32) {
    %c0_i32 = arith.constant 0 : i32
    return %arg0, %arg1, %arg2 : i32, i32, i32
  }
  func.func @transform_7(%arg0: i32, %arg1: i32, %arg2: i32) -> (i32, i32, i32) {
    %c0_i32 = arith.constant 0 : i32
    return %arg0, %arg1, %arg2 : i32, i32, i32
  }
}

module attributes {stable_mosaic.version = 14 : i64} {
  func.func @_corr_inv(%arg0: i32, %arg1: i32, %arg2: memref<1x768x2304xf32, #tpu.memory_space<vmem>>, %arg3: memref<1x768x2304xf32, #tpu.memory_space<vmem>>, %arg4: memref<2304x256xbf16, #tpu.memory_space<vmem>>, %arg5: memref<2304x256xbf16, #tpu.memory_space<vmem>>, %arg6: memref<2304x256xbf16, #tpu.memory_space<vmem>>, %arg7: memref<2304x256xbf16, #tpu.memory_space<vmem>>, %arg8: memref<1x768x256xf32, #tpu.memory_space<vmem>>) attributes {dimension_semantics = [#tpu.dimension_semantics<arbitrary>, #tpu.dimension_semantics<arbitrary>], iteration_bounds = array<i64: 2, 16>, scalar_prefetch = 0 : i64, scratch_operands = 0 : i64, tpu.core_type = #tpu.core_type<tc>, window_params = [{transform_indices = @transform_0, window_bounds = array<i64: 1, 768, 2304>}, {transform_indices = @transform_1, window_bounds = array<i64: 1, 768, 2304>}, {transform_indices = @transform_2, window_bounds = array<i64: 2304, 256>}, {transform_indices = @transform_3, window_bounds = array<i64: 2304, 256>}, {transform_indices = @transform_4, window_bounds = array<i64: 2304, 256>}, {transform_indices = @transform_5, window_bounds = array<i64: 2304, 256>}, {transform_indices = @transform_6, window_bounds = array<i64: 1, 768, 256>}]} {
    %get3A = arith.constant 0 : index
    %get3A_0 = arith.constant 0 : index
    %get3A_1 = arith.constant 0 : index
    %get3A_2 = vector.load %arg2[%get3A, %get3A_0, %get3A_1] : memref<1x768x2304xf32, #tpu.memory_space<vmem>>, vector<1x768x2304xf32>
    %get3A_3 = vector.shape_cast %get3A_2 : vector<1x768x2304xf32> to vector<768x2304xf32>
    %convert_element_type3A = arith.truncf %get3A_3 : vector<768x2304xf32> to vector<768x2304xbf16>
    %convert_element_type3A_4 = arith.extf %convert_element_type3A : vector<768x2304xbf16> to vector<768x2304xf32>
    %sub3A = arith.subf %get3A_3, %convert_element_type3A_4 : vector<768x2304xf32>
    %convert_element_type3A_5 = arith.truncf %sub3A : vector<768x2304xf32> to vector<768x2304xbf16>
    %get3A_6 = arith.constant 0 : index
    %get3A_7 = arith.constant 0 : index
    %get3A_8 = arith.constant 0 : index
    %get3A_9 = vector.load %arg3[%get3A_6, %get3A_7, %get3A_8] : memref<1x768x2304xf32, #tpu.memory_space<vmem>>, vector<1x768x2304xf32>
    %get3A_10 = vector.shape_cast %get3A_9 : vector<1x768x2304xf32> to vector<768x2304xf32>
    %convert_element_type3A_11 = arith.truncf %get3A_10 : vector<768x2304xf32> to vector<768x2304xbf16>
    %convert_element_type3A_12 = arith.extf %convert_element_type3A_11 : vector<768x2304xbf16> to vector<768x2304xf32>
    %sub3A_13 = arith.subf %get3A_10, %convert_element_type3A_12 : vector<768x2304xf32>
    %convert_element_type3A_14 = arith.truncf %sub3A_13 : vector<768x2304xf32> to vector<768x2304xbf16>
    %get3A_15 = arith.constant 0 : index
    %get3A_16 = arith.constant 0 : index
    %get3A_17 = vector.load %arg4[%get3A_15, %get3A_16] : memref<2304x256xbf16, #tpu.memory_space<vmem>>, vector<2304x256xbf16>
    %get3A_18 = arith.constant 0 : index
    %get3A_19 = arith.constant 0 : index
    %get3A_20 = vector.load %arg5[%get3A_18, %get3A_19] : memref<2304x256xbf16, #tpu.memory_space<vmem>>, vector<2304x256xbf16>
    %dot_general3A = arith.constant dense<0.000000e+00> : vector<768x256xf32>
    %dot_general3A_21 = tpu.matmul %convert_element_type3A, %get3A_17, %dot_general3A {dimension_numbers = #tpu.dot_dimension_numbers<[1], [0], [0], [1], [0, 0, 1, 1], [], []>, transpose_lhs_hint = false} : vector<768x2304xbf16>, vector<2304x256xbf16>, vector<768x256xf32> -> vector<768x256xf32>
    %dot_general3A_22 = arith.constant dense<0.000000e+00> : vector<768x256xf32>
    %dot_general3A_23 = tpu.matmul %convert_element_type3A, %get3A_20, %dot_general3A_22 {dimension_numbers = #tpu.dot_dimension_numbers<[1], [0], [0], [1], [0, 0, 1, 1], [], []>, transpose_lhs_hint = false} : vector<768x2304xbf16>, vector<2304x256xbf16>, vector<768x256xf32> -> vector<768x256xf32>
    %add3A = arith.addf %dot_general3A_21, %dot_general3A_23 : vector<768x256xf32>
    %dot_general3A_24 = arith.constant dense<0.000000e+00> : vector<768x256xf32>
    %dot_general3A_25 = tpu.matmul %convert_element_type3A_5, %get3A_17, %dot_general3A_24 {dimension_numbers = #tpu.dot_dimension_numbers<[1], [0], [0], [1], [0, 0, 1, 1], [], []>, transpose_lhs_hint = false} : vector<768x2304xbf16>, vector<2304x256xbf16>, vector<768x256xf32> -> vector<768x256xf32>
    %add3A_26 = arith.addf %add3A, %dot_general3A_25 : vector<768x256xf32>
    %get3A_27 = arith.constant 0 : index
    %get3A_28 = arith.constant 0 : index
    %get3A_29 = vector.load %arg6[%get3A_27, %get3A_28] : memref<2304x256xbf16, #tpu.memory_space<vmem>>, vector<2304x256xbf16>
    %get3A_30 = arith.constant 0 : index
    %get3A_31 = arith.constant 0 : index
    %get3A_32 = vector.load %arg7[%get3A_30, %get3A_31] : memref<2304x256xbf16, #tpu.memory_space<vmem>>, vector<2304x256xbf16>
    %dot_general3A_33 = arith.constant dense<0.000000e+00> : vector<768x256xf32>
    %dot_general3A_34 = tpu.matmul %convert_element_type3A_11, %get3A_29, %dot_general3A_33 {dimension_numbers = #tpu.dot_dimension_numbers<[1], [0], [0], [1], [0, 0, 1, 1], [], []>, transpose_lhs_hint = false} : vector<768x2304xbf16>, vector<2304x256xbf16>, vector<768x256xf32> -> vector<768x256xf32>
    %dot_general3A_35 = arith.constant dense<0.000000e+00> : vector<768x256xf32>
    %dot_general3A_36 = tpu.matmul %convert_element_type3A_11, %get3A_32, %dot_general3A_35 {dimension_numbers = #tpu.dot_dimension_numbers<[1], [0], [0], [1], [0, 0, 1, 1], [], []>, transpose_lhs_hint = false} : vector<768x2304xbf16>, vector<2304x256xbf16>, vector<768x256xf32> -> vector<768x256xf32>
    %add3A_37 = arith.addf %dot_general3A_34, %dot_general3A_36 : vector<768x256xf32>
    %dot_general3A_38 = arith.constant dense<0.000000e+00> : vector<768x256xf32>
    %dot_general3A_39 = tpu.matmul %convert_element_type3A_14, %get3A_29, %dot_general3A_38 {dimension_numbers = #tpu.dot_dimension_numbers<[1], [0], [0], [1], [0, 0, 1, 1], [], []>, transpose_lhs_hint = false} : vector<768x2304xbf16>, vector<2304x256xbf16>, vector<768x256xf32> -> vector<768x256xf32>
    %add3A_40 = arith.addf %add3A_37, %dot_general3A_39 : vector<768x256xf32>
    %add3A_41 = arith.addf %add3A_26, %add3A_40 : vector<768x256xf32>
    %swap3A = arith.constant 0 : index
    %swap3A_42 = arith.constant 0 : index
    %swap3A_43 = arith.constant 0 : index
    %swap3A_44 = vector.load %arg8[%swap3A, %swap3A_42, %swap3A_43] : memref<1x768x256xf32, #tpu.memory_space<vmem>>, vector<1x768x256xf32>
    %swap3A_45 = vector.shape_cast %swap3A_44 : vector<1x768x256xf32> to vector<768x256xf32>
    %swap3A_46 = vector.shape_cast %add3A_41 : vector<768x256xf32> to vector<1x768x256xf32>
    tpu.vector_store %arg8[%swap3A, %swap3A_42, %swap3A_43], %swap3A_46 {strides = array<i32>} : memref<1x768x256xf32, #tpu.memory_space<vmem>>, vector<1x768x256xf32>,
    return
  }
  func.func @transform_0(%arg0: i32, %arg1: i32) -> (i32, i32, i32) {
    %c0_i32 = arith.constant 0 : i32
    %c0_i32_0 = arith.constant 0 : i32
    %c0_i32_1 = arith.constant 0 : i32
    return %arg0, %c0_i32, %c0_i32_0 : i32, i32, i32
  }
  func.func @transform_1(%arg0: i32, %arg1: i32) -> (i32, i32, i32) {
    %c0_i32 = arith.constant 0 : i32
    %c0_i32_0 = arith.constant 0 : i32
    %c0_i32_1 = arith.constant 0 : i32
    return %arg0, %c0_i32, %c0_i32_0 : i32, i32, i32
  }
  func.func @transform_2(%arg0: i32, %arg1: i32) -> (i32, i32) {
    %c0_i32 = arith.constant 0 : i32
    %c0_i32_0 = arith.constant 0 : i32
    return %c0_i32, %arg1 : i32, i32
  }
  func.func @transform_3(%arg0: i32, %arg1: i32) -> (i32, i32) {
    %c0_i32 = arith.constant 0 : i32
    %c0_i32_0 = arith.constant 0 : i32
    return %c0_i32, %arg1 : i32, i32
  }
  func.func @transform_4(%arg0: i32, %arg1: i32) -> (i32, i32) {
    %c0_i32 = arith.constant 0 : i32
    %c0_i32_0 = arith.constant 0 : i32
    return %c0_i32, %arg1 : i32, i32
  }
  func.func @transform_5(%arg0: i32, %arg1: i32) -> (i32, i32) {
    %c0_i32 = arith.constant 0 : i32
    %c0_i32_0 = arith.constant 0 : i32
    return %c0_i32, %arg1 : i32, i32
  }
  func.func @transform_6(%arg0: i32, %arg1: i32) -> (i32, i32, i32) {
    %c0_i32 = arith.constant 0 : i32
    %c0_i32_0 = arith.constant 0 : i32
    return %arg0, %c0_i32, %arg1 : i32, i32, i32
  }
}

module attributes {stable_mosaic.version = 14 : i64} {
  func.func @_topk(%arg0: i32, %arg1: i32, %arg2: memref<1x256x4096xf32, #tpu.memory_space<vmem>>, %arg3: memref<1x256x16xf32, #tpu.memory_space<vmem>>, %arg4: memref<1x256x16xi32, #tpu.memory_space<vmem>>) attributes {dimension_semantics = [#tpu.dimension_semantics<arbitrary>, #tpu.dimension_semantics<arbitrary>], iteration_bounds = array<i64: 2, 3>, scalar_prefetch = 0 : i64, scratch_operands = 0 : i64, tpu.core_type = #tpu.core_type<tc>, window_params = [{transform_indices = @transform_0, window_bounds = array<i64: 1, 256, 4096>}, {transform_indices = @transform_1, window_bounds = array<i64: 1, 256, 16>}, {transform_indices = @transform_2, window_bounds = array<i64: 1, 256, 16>}]} {
    %get3A = arith.constant 0 : index
    %get3A_0 = arith.constant 0 : index
    %get3A_1 = arith.constant 0 : index
    %get3A_2 = vector.load %arg2[%get3A, %get3A_0, %get3A_1] : memref<1x256x4096xf32, #tpu.memory_space<vmem>>, vector<1x256x4096xf32>
    %get3A_3 = vector.shape_cast %get3A_2 : vector<1x256x4096xf32> to vector<256x4096xf32>
    %iota3A = tpu.iota {dimensions = array<i32: 1>} : vector<256x4096xi32>
    %reduce_max3A = arith.constant dense<0xFF800000> : vector<256xf32>
    %reduce_max3A_4 = vector.multi_reduction <maximumf>, %get3A_3, %reduce_max3A [1] : vector<256x4096xf32> to vector<256xf32>
    %broadcast_in_dim3A = vector.shape_cast %reduce_max3A_4 : vector<256xf32> to vector<256x1xf32>
    %eq3A = vector.broadcast %broadcast_in_dim3A : vector<256x1xf32> to vector<256x4096xf32>
    %eq3A_5 = arith.cmpf oeq, %get3A_3, %eq3A : vector<256x4096xf32>
    %jit3A = arith.constant 4096 : i32
    %broadcast_in_dim3A_6 = vector.broadcast %jit3A : i32 to vector<256x4096xi32>
    %select_n3A = arith.select %eq3A_5, %iota3A, %broadcast_in_dim3A_6 : vector<256x4096xi1>, vector<256x4096xi32>
    %reduce_min3A = arith.constant dense<2147483647> : vector<256xi32>
    %reduce_min3A_7 = vector.multi_reduction <minsi>, %select_n3A, %reduce_min3A [1] : vector<256x4096xi32> to vector<256xi32>
    %broadcast_in_dim3A_8 = vector.shape_cast %reduce_min3A_7 : vector<256xi32> to vector<256x1xi32>
    %eq3A_9 = vector.broadcast %broadcast_in_dim3A_8 : vector<256x1xi32> to vector<256x4096xi32>
    %eq3A_10 = arith.cmpi eq, %iota3A, %eq3A_9 : vector<256x4096xi32>
    %jit3A_11 = arith.constant -3.000000e+38 : f32
    %broadcast_in_dim3A_12 = vector.broadcast %jit3A_11 : f32 to vector<256x4096xf32>
    %select_n3A_13 = arith.select %eq3A_10, %broadcast_in_dim3A_12, %get3A_3 : vector<256x4096xi1>, vector<256x4096xf32>
    %reduce_max3A_14 = arith.constant dense<0xFF800000> : vector<256xf32>
    %reduce_max3A_15 = vector.multi_reduction <maximumf>, %select_n3A_13, %reduce_max3A_14 [1] : vector<256x4096xf32> to vector<256xf32>
    %broadcast_in_dim3A_16 = vector.shape_cast %reduce_max3A_15 : vector<256xf32> to vector<256x1xf32>
    %eq3A_17 = vector.broadcast %broadcast_in_dim3A_16 : vector<256x1xf32> to vector<256x4096xf32>
    %eq3A_18 = arith.cmpf oeq, %select_n3A_13, %eq3A_17 : vector<256x4096xf32>
    %jit3A_19 = arith.constant 4096 : i32
    %broadcast_in_dim3A_20 = vector.broadcast %jit3A_19 : i32 to vector<256x4096xi32>
    %select_n3A_21 = arith.select %eq3A_18, %iota3A, %broadcast_in_dim3A_20 : vector<256x4096xi1>, vector<256x4096xi32>
    %reduce_min3A_22 = arith.constant dense<2147483647> : vector<256xi32>
    %reduce_min3A_23 = vector.multi_reduction <minsi>, %select_n3A_21, %reduce_min3A_22 [1] : vector<256x4096xi32> to vector<256xi32>
    %broadcast_in_dim3A_24 = vector.shape_cast %reduce_min3A_23 : vector<256xi32> to vector<256x1xi32>
    %eq3A_25 = vector.broadcast %broadcast_in_dim3A_24 : vector<256x1xi32> to vector<256x4096xi32>
    %eq3A_26 = arith.cmpi eq, %iota3A, %eq3A_25 : vector<256x4096xi32>
    %jit3A_27 = arith.constant -3.000000e+38 : f32
    %broadcast_in_dim3A_28 = vector.broadcast %jit3A_27 : f32 to vector<256x4096xf32>
    %select_n3A_29 = arith.select %eq3A_26, %broadcast_in_dim3A_28, %select_n3A_13 : vector<256x4096xi1>, vector<256x4096xf32>
    %reduce_max3A_30 = arith.constant dense<0xFF800000> : vector<256xf32>
    %reduce_max3A_31 = vector.multi_reduction <maximumf>, %select_n3A_29, %reduce_max3A_30 [1] : vector<256x4096xf32> to vector<256xf32>
    %broadcast_in_dim3A_32 = vector.shape_cast %reduce_max3A_31 : vector<256xf32> to vector<256x1xf32>
    %eq3A_33 = vector.broadcast %broadcast_in_dim3A_32 : vector<256x1xf32> to vector<256x4096xf32>
    %eq3A_34 = arith.cmpf oeq, %select_n3A_29, %eq3A_33 : vector<256x4096xf32>
    %jit3A_35 = arith.constant 4096 : i32
    %broadcast_in_dim3A_36 = vector.broadcast %jit3A_35 : i32 to vector<256x4096xi32>
    %select_n3A_37 = arith.select %eq3A_34, %iota3A, %broadcast_in_dim3A_36 : vector<256x4096xi1>, vector<256x4096xi32>
    %reduce_min3A_38 = arith.constant dense<2147483647> : vector<256xi32>
    %reduce_min3A_39 = vector.multi_reduction <minsi>, %select_n3A_37, %reduce_min3A_38 [1] : vector<256x4096xi32> to vector<256xi32>
    %broadcast_in_dim3A_40 = vector.shape_cast %reduce_min3A_39 : vector<256xi32> to vector<256x1xi32>
    %eq3A_41 = vector.broadcast %broadcast_in_dim3A_40 : vector<256x1xi32> to vector<256x4096xi32>
    %eq3A_42 = arith.cmpi eq, %iota3A, %eq3A_41 : vector<256x4096xi32>
    %jit3A_43 = arith.constant -3.000000e+38 : f32
    %broadcast_in_dim3A_44 = vector.broadcast %jit3A_43 : f32 to vector<256x4096xf32>
    %select_n3A_45 = arith.select %eq3A_42, %broadcast_in_dim3A_44, %select_n3A_29 : vector<256x4096xi1>, vector<256x4096xf32>
    %reduce_max3A_46 = arith.constant dense<0xFF800000> : vector<256xf32>
    %reduce_max3A_47 = vector.multi_reduction <maximumf>, %select_n3A_45, %reduce_max3A_46 [1] : vector<256x4096xf32> to vector<256xf32>
    %broadcast_in_dim3A_48 = vector.shape_cast %reduce_max3A_47 : vector<256xf32> to vector<256x1xf32>
    %eq3A_49 = vector.broadcast %broadcast_in_dim3A_48 : vector<256x1xf32> to vector<256x4096xf32>
    %eq3A_50 = arith.cmpf oeq, %select_n3A_45, %eq3A_49 : vector<256x4096xf32>
    %jit3A_51 = arith.constant 4096 : i32
    %broadcast_in_dim3A_52 = vector.broadcast %jit3A_51 : i32 to vector<256x4096xi32>
    %select_n3A_53 = arith.select %eq3A_50, %iota3A, %broadcast_in_dim3A_52 : vector<256x4096xi1>, vector<256x4096xi32>
    %reduce_min3A_54 = arith.constant dense<2147483647> : vector<256xi32>
    %reduce_min3A_55 = vector.multi_reduction <minsi>, %select_n3A_53, %reduce_min3A_54 [1] : vector<256x4096xi32> to vector<256xi32>
    %broadcast_in_dim3A_56 = vector.shape_cast %reduce_min3A_55 : vector<256xi32> to vector<256x1xi32>
    %eq3A_57 = vector.broadcast %broadcast_in_dim3A_56 : vector<256x1xi32> to vector<256x4096xi32>
    %eq3A_58 = arith.cmpi eq, %iota3A, %eq3A_57 : vector<256x4096xi32>
    %jit3A_59 = arith.constant -3.000000e+38 : f32
    %broadcast_in_dim3A_60 = vector.broadcast %jit3A_59 : f32 to vector<256x4096xf32>
    %select_n3A_61 = arith.select %eq3A_58, %broadcast_in_dim3A_60, %select_n3A_45 : vector<256x4096xi1>, vector<256x4096xf32>
    %reduce_max3A_62 = arith.constant dense<0xFF800000> : vector<256xf32>
    %reduce_max3A_63 = vector.multi_reduction <maximumf>, %select_n3A_61, %reduce_max3A_62 [1] : vector<256x4096xf32> to vector<256xf32>
    %broadcast_in_dim3A_64 = vector.shape_cast %reduce_max3A_63 : vector<256xf32> to vector<256x1xf32>
    %eq3A_65 = vector.broadcast %broadcast_in_dim3A_64 : vector<256x1xf32> to vector<256x4096xf32>
    %eq3A_66 = arith.cmpf oeq, %select_n3A_61, %eq3A_65 : vector<256x4096xf32>
    %jit3A_67 = arith.constant 4096 : i32
    %broadcast_in_dim3A_68 = vector.broadcast %jit3A_67 : i32 to vector<256x4096xi32>
    %select_n3A_69 = arith.select %eq3A_66, %iota3A, %broadcast_in_dim3A_68 : vector<256x4096xi1>, vector<256x4096xi32>
    %reduce_min3A_70 = arith.constant dense<2147483647> : vector<256xi32>
    %reduce_min3A_71 = vector.multi_reduction <minsi>, %select_n3A_69, %reduce_min3A_70 [1] : vector<256x4096xi32> to vector<256xi32>
    %broadcast_in_dim3A_72 = vector.shape_cast %reduce_min3A_71 : vector<256xi32> to vector<256x1xi32>
    %eq3A_73 = vector.broadcast %broadcast_in_dim3A_72 : vector<256x1xi32> to vector<256x4096xi32>
    %eq3A_74 = arith.cmpi eq, %iota3A, %eq3A_73 : vector<256x4096xi32>
    %jit3A_75 = arith.constant -3.000000e+38 : f32
    %broadcast_in_dim3A_76 = vector.broadcast %jit3A_75 : f32 to vector<256x4096xf32>
    %select_n3A_77 = arith.select %eq3A_74, %broadcast_in_dim3A_76, %select_n3A_61 : vector<256x4096xi1>, vector<256x4096xf32>
    %reduce_max3A_78 = arith.constant dense<0xFF800000> : vector<256xf32>
    %reduce_max3A_79 = vector.multi_reduction <maximumf>, %select_n3A_77, %reduce_max3A_78 [1] : vector<256x4096xf32> to vector<256xf32>
    %broadcast_in_dim3A_80 = vector.shape_cast %reduce_max3A_79 : vector<256xf32> to vector<256x1xf32>
    %eq3A_81 = vector.broadcast %broadcast_in_dim3A_80 : vector<256x1xf32> to vector<256x4096xf32>
    %eq3A_82 = arith.cmpf oeq, %select_n3A_77, %eq3A_81 : vector<256x4096xf32>
    %jit3A_83 = arith.constant 4096 : i32
    %broadcast_in_dim3A_84 = vector.broadcast %jit3A_83 : i32 to vector<256x4096xi32>
    %select_n3A_85 = arith.select %eq3A_82, %iota3A, %broadcast_in_dim3A_84 : vector<256x4096xi1>, vector<256x4096xi32>
    %reduce_min3A_86 = arith.constant dense<2147483647> : vector<256xi32>
    %reduce_min3A_87 = vector.multi_reduction <minsi>, %select_n3A_85, %reduce_min3A_86 [1] : vector<256x4096xi32> to vector<256xi32>
    %broadcast_in_dim3A_88 = vector.shape_cast %reduce_min3A_87 : vector<256xi32> to vector<256x1xi32>
    %eq3A_89 = vector.broadcast %broadcast_in_dim3A_88 : vector<256x1xi32> to vector<256x4096xi32>
    %eq3A_90 = arith.cmpi eq, %iota3A, %eq3A_89 : vector<256x4096xi32>
    %jit3A_91 = arith.constant -3.000000e+38 : f32
    %broadcast_in_dim3A_92 = vector.broadcast %jit3A_91 : f32 to vector<256x4096xf32>
    %select_n3A_93 = arith.select %eq3A_90, %broadcast_in_dim3A_92, %select_n3A_77 : vector<256x4096xi1>, vector<256x4096xf32>
    %reduce_max3A_94 = arith.constant dense<0xFF800000> : vector<256xf32>
    %reduce_max3A_95 = vector.multi_reduction <maximumf>, %select_n3A_93, %reduce_max3A_94 [1] : vector<256x4096xf32> to vector<256xf32>
    %broadcast_in_dim3A_96 = vector.shape_cast %reduce_max3A_95 : vector<256xf32> to vector<256x1xf32>
    %eq3A_97 = vector.broadcast %broadcast_in_dim3A_96 : vector<256x1xf32> to vector<256x4096xf32>
    %eq3A_98 = arith.cmpf oeq, %select_n3A_93, %eq3A_97 : vector<256x4096xf32>
    %jit3A_99 = arith.constant 4096 : i32
    %broadcast_in_dim3A_100 = vector.broadcast %jit3A_99 : i32 to vector<256x4096xi32>
    %select_n3A_101 = arith.select %eq3A_98, %iota3A, %broadcast_in_dim3A_100 : vector<256x4096xi1>, vector<256x4096xi32>
    %reduce_min3A_102 = arith.constant dense<2147483647> : vector<256xi32>
    %reduce_min3A_103 = vector.multi_reduction <minsi>, %select_n3A_101, %reduce_min3A_102 [1] : vector<256x4096xi32> to vector<256xi32>
    %broadcast_in_dim3A_104 = vector.shape_cast %reduce_min3A_103 : vector<256xi32> to vector<256x1xi32>
    %eq3A_105 = vector.broadcast %broadcast_in_dim3A_104 : vector<256x1xi32> to vector<256x4096xi32>
    %eq3A_106 = arith.cmpi eq, %iota3A, %eq3A_105 : vector<256x4096xi32>
    %jit3A_107 = arith.constant -3.000000e+38 : f32
    %broadcast_in_dim3A_108 = vector.broadcast %jit3A_107 : f32 to vector<256x4096xf32>
    %select_n3A_109 = arith.select %eq3A_106, %broadcast_in_dim3A_108, %select_n3A_93 : vector<256x4096xi1>, vector<256x4096xf32>
    %reduce_max3A_110 = arith.constant dense<0xFF800000> : vector<256xf32>
    %reduce_max3A_111 = vector.multi_reduction <maximumf>, %select_n3A_109, %reduce_max3A_110 [1] : vector<256x4096xf32> to vector<256xf32>
    %broadcast_in_dim3A_112 = vector.shape_cast %reduce_max3A_111 : vector<256xf32> to vector<256x1xf32>
    %eq3A_113 = vector.broadcast %broadcast_in_dim3A_112 : vector<256x1xf32> to vector<256x4096xf32>
    %eq3A_114 = arith.cmpf oeq, %select_n3A_109, %eq3A_113 : vector<256x4096xf32>
    %jit3A_115 = arith.constant 4096 : i32
    %broadcast_in_dim3A_116 = vector.broadcast %jit3A_115 : i32 to vector<256x4096xi32>
    %select_n3A_117 = arith.select %eq3A_114, %iota3A, %broadcast_in_dim3A_116 : vector<256x4096xi1>, vector<256x4096xi32>
    %reduce_min3A_118 = arith.constant dense<2147483647> : vector<256xi32>
    %reduce_min3A_119 = vector.multi_reduction <minsi>, %select_n3A_117, %reduce_min3A_118 [1] : vector<256x4096xi32> to vector<256xi32>
    %broadcast_in_dim3A_120 = vector.shape_cast %reduce_min3A_119 : vector<256xi32> to vector<256x1xi32>
    %eq3A_121 = vector.broadcast %broadcast_in_dim3A_120 : vector<256x1xi32> to vector<256x4096xi32>
    %eq3A_122 = arith.cmpi eq, %iota3A, %eq3A_121 : vector<256x4096xi32>
    %jit3A_123 = arith.constant -3.000000e+38 : f32
    %broadcast_in_dim3A_124 = vector.broadcast %jit3A_123 : f32 to vector<256x4096xf32>
    %select_n3A_125 = arith.select %eq3A_122, %broadcast_in_dim3A_124, %select_n3A_109 : vector<256x4096xi1>, vector<256x4096xf32>
    %reduce_max3A_126 = arith.constant dense<0xFF800000> : vector<256xf32>
    %reduce_max3A_127 = vector.multi_reduction <maximumf>, %select_n3A_125, %reduce_max3A_126 [1] : vector<256x4096xf32> to vector<256xf32>
    %broadcast_in_dim3A_128 = vector.shape_cast %reduce_max3A_127 : vector<256xf32> to vector<256x1xf32>
    %eq3A_129 = vector.broadcast %broadcast_in_dim3A_128 : vector<256x1xf32> to vector<256x4096xf32>
    %eq3A_130 = arith.cmpf oeq, %select_n3A_125, %eq3A_129 : vector<256x4096xf32>
    %jit3A_131 = arith.constant 4096 : i32
    %broadcast_in_dim3A_132 = vector.broadcast %jit3A_131 : i32 to vector<256x4096xi32>
    %select_n3A_133 = arith.select %eq3A_130, %iota3A, %broadcast_in_dim3A_132 : vector<256x4096xi1>, vector<256x4096xi32>
    %reduce_min3A_134 = arith.constant dense<2147483647> : vector<256xi32>
    %reduce_min3A_135 = vector.multi_reduction <minsi>, %select_n3A_133, %reduce_min3A_134 [1] : vector<256x4096xi32> to vector<256xi32>
    %broadcast_in_dim3A_136 = vector.shape_cast %reduce_min3A_135 : vector<256xi32> to vector<256x1xi32>
    %eq3A_137 = vector.broadcast %broadcast_in_dim3A_136 : vector<256x1xi32> to vector<256x4096xi32>
    %eq3A_138 = arith.cmpi eq, %iota3A, %eq3A_137 : vector<256x4096xi32>
    %jit3A_139 = arith.constant -3.000000e+38 : f32
    %broadcast_in_dim3A_140 = vector.broadcast %jit3A_139 : f32 to vector<256x4096xf32>
    %select_n3A_141 = arith.select %eq3A_138, %broadcast_in_dim3A_140, %select_n3A_125 : vector<256x4096xi1>, vector<256x4096xf32>
    %reduce_max3A_142 = arith.constant dense<0xFF800000> : vector<256xf32>
    %reduce_max3A_143 = vector.multi_reduction <maximumf>, %select_n3A_141, %reduce_max3A_142 [1] : vector<256x4096xf32> to vector<256xf32>
    %broadcast_in_dim3A_144 = vector.shape_cast %reduce_max3A_143 : vector<256xf32> to vector<256x1xf32>
    %eq3A_145 = vector.broadcast %broadcast_in_dim3A_144 : vector<256x1xf32> to vector<256x4096xf32>
    %eq3A_146 = arith.cmpf oeq, %select_n3A_141, %eq3A_145 : vector<256x4096xf32>
    %jit3A_147 = arith.constant 4096 : i32
    %broadcast_in_dim3A_148 = vector.broadcast %jit3A_147 : i32 to vector<256x4096xi32>
    %select_n3A_149 = arith.select %eq3A_146, %iota3A, %broadcast_in_dim3A_148 : vector<256x4096xi1>, vector<256x4096xi32>
    %reduce_min3A_150 = arith.constant dense<2147483647> : vector<256xi32>
    %reduce_min3A_151 = vector.multi_reduction <minsi>, %select_n3A_149, %reduce_min3A_150 [1] : vector<256x4096xi32> to vector<256xi32>
    %broadcast_in_dim3A_152 = vector.shape_cast %reduce_min3A_151 : vector<256xi32> to vector<256x1xi32>
    %eq3A_153 = vector.broadcast %broadcast_in_dim3A_152 : vector<256x1xi32> to vector<256x4096xi32>
    %eq3A_154 = arith.cmpi eq, %iota3A, %eq3A_153 : vector<256x4096xi32>
    %jit3A_155 = arith.constant -3.000000e+38 : f32
    %broadcast_in_dim3A_156 = vector.broadcast %jit3A_155 : f32 to vector<256x4096xf32>
    %select_n3A_157 = arith.select %eq3A_154, %broadcast_in_dim3A_156, %select_n3A_141 : vector<256x4096xi1>, vector<256x4096xf32>
    %reduce_max3A_158 = arith.constant dense<0xFF800000> : vector<256xf32>
    %reduce_max3A_159 = vector.multi_reduction <maximumf>, %select_n3A_157, %reduce_max3A_158 [1] : vector<256x4096xf32> to vector<256xf32>
    %broadcast_in_dim3A_160 = vector.shape_cast %reduce_max3A_159 : vector<256xf32> to vector<256x1xf32>
    %eq3A_161 = vector.broadcast %broadcast_in_dim3A_160 : vector<256x1xf32> to vector<256x4096xf32>
    %eq3A_162 = arith.cmpf oeq, %select_n3A_157, %eq3A_161 : vector<256x4096xf32>
    %jit3A_163 = arith.constant 4096 : i32
    %broadcast_in_dim3A_164 = vector.broadcast %jit3A_163 : i32 to vector<256x4096xi32>
    %select_n3A_165 = arith.select %eq3A_162, %iota3A, %broadcast_in_dim3A_164 : vector<256x4096xi1>, vector<256x4096xi32>
    %reduce_min3A_166 = arith.constant dense<2147483647> : vector<256xi32>
    %reduce_min3A_167 = vector.multi_reduction <minsi>, %select_n3A_165, %reduce_min3A_166 [1] : vector<256x4096xi32> to vector<256xi32>
    %broadcast_in_dim3A_168 = vector.shape_cast %reduce_min3A_167 : vector<256xi32> to vector<256x1xi32>
    %eq3A_169 = vector.broadcast %broadcast_in_dim3A_168 : vector<256x1xi32> to vector<256x4096xi32>
    %eq3A_170 = arith.cmpi eq, %iota3A, %eq3A_169 : vector<256x4096xi32>
    %jit3A_171 = arith.constant -3.000000e+38 : f32
    %broadcast_in_dim3A_172 = vector.broadcast %jit3A_171 : f32 to vector<256x4096xf32>
    %select_n3A_173 = arith.select %eq3A_170, %broadcast_in_dim3A_172, %select_n3A_157 : vector<256x4096xi1>, vector<256x4096xf32>
    %reduce_max3A_174 = arith.constant dense<0xFF800000> : vector<256xf32>
    %reduce_max3A_175 = vector.multi_reduction <maximumf>, %select_n3A_173, %reduce_max3A_174 [1] : vector<256x4096xf32> to vector<256xf32>
    %broadcast_in_dim3A_176 = vector.shape_cast %reduce_max3A_175 : vector<256xf32> to vector<256x1xf32>
    %eq3A_177 = vector.broadcast %broadcast_in_dim3A_176 : vector<256x1xf32> to vector<256x4096xf32>
    %eq3A_178 = arith.cmpf oeq, %select_n3A_173, %eq3A_177 : vector<256x4096xf32>
    %jit3A_179 = arith.constant 4096 : i32
    %broadcast_in_dim3A_180 = vector.broadcast %jit3A_179 : i32 to vector<256x4096xi32>
    %select_n3A_181 = arith.select %eq3A_178, %iota3A, %broadcast_in_dim3A_180 : vector<256x4096xi1>, vector<256x4096xi32>
    %reduce_min3A_182 = arith.constant dense<2147483647> : vector<256xi32>
    %reduce_min3A_183 = vector.multi_reduction <minsi>, %select_n3A_181, %reduce_min3A_182 [1] : vector<256x4096xi32> to vector<256xi32>
    %broadcast_in_dim3A_184 = vector.shape_cast %reduce_min3A_183 : vector<256xi32> to vector<256x1xi32>
    %eq3A_185 = vector.broadcast %broadcast_in_dim3A_184 : vector<256x1xi32> to vector<256x4096xi32>
    %eq3A_186 = arith.cmpi eq, %iota3A, %eq3A_185 : vector<256x4096xi32>
    %jit3A_187 = arith.constant -3.000000e+38 : f32
    %broadcast_in_dim3A_188 = vector.broadcast %jit3A_187 : f32 to vector<256x4096xf32>
    %select_n3A_189 = arith.select %eq3A_186, %broadcast_in_dim3A_188, %select_n3A_173 : vector<256x4096xi1>, vector<256x4096xf32>
    %reduce_max3A_190 = arith.constant dense<0xFF800000> : vector<256xf32>
    %reduce_max3A_191 = vector.multi_reduction <maximumf>, %select_n3A_189, %reduce_max3A_190 [1] : vector<256x4096xf32> to vector<256xf32>
    %broadcast_in_dim3A_192 = vector.shape_cast %reduce_max3A_191 : vector<256xf32> to vector<256x1xf32>
    %eq3A_193 = vector.broadcast %broadcast_in_dim3A_192 : vector<256x1xf32> to vector<256x4096xf32>
    %eq3A_194 = arith.cmpf oeq, %select_n3A_189, %eq3A_193 : vector<256x4096xf32>
    %jit3A_195 = arith.constant 4096 : i32
    %broadcast_in_dim3A_196 = vector.broadcast %jit3A_195 : i32 to vector<256x4096xi32>
    %select_n3A_197 = arith.select %eq3A_194, %iota3A, %broadcast_in_dim3A_196 : vector<256x4096xi1>, vector<256x4096xi32>
    %reduce_min3A_198 = arith.constant dense<2147483647> : vector<256xi32>
    %reduce_min3A_199 = vector.multi_reduction <minsi>, %select_n3A_197, %reduce_min3A_198 [1] : vector<256x4096xi32> to vector<256xi32>
    %broadcast_in_dim3A_200 = vector.shape_cast %reduce_min3A_199 : vector<256xi32> to vector<256x1xi32>
    %eq3A_201 = vector.broadcast %broadcast_in_dim3A_200 : vector<256x1xi32> to vector<256x4096xi32>
    %eq3A_202 = arith.cmpi eq, %iota3A, %eq3A_201 : vector<256x4096xi32>
    %jit3A_203 = arith.constant -3.000000e+38 : f32
    %broadcast_in_dim3A_204 = vector.broadcast %jit3A_203 : f32 to vector<256x4096xf32>
    %select_n3A_205 = arith.select %eq3A_202, %broadcast_in_dim3A_204, %select_n3A_189 : vector<256x4096xi1>, vector<256x4096xf32>
    %reduce_max3A_206 = arith.constant dense<0xFF800000> : vector<256xf32>
    %reduce_max3A_207 = vector.multi_reduction <maximumf>, %select_n3A_205, %reduce_max3A_206 [1] : vector<256x4096xf32> to vector<256xf32>
    %broadcast_in_dim3A_208 = vector.shape_cast %reduce_max3A_207 : vector<256xf32> to vector<256x1xf32>
    %eq3A_209 = vector.broadcast %broadcast_in_dim3A_208 : vector<256x1xf32> to vector<256x4096xf32>
    %eq3A_210 = arith.cmpf oeq, %select_n3A_205, %eq3A_209 : vector<256x4096xf32>
    %jit3A_211 = arith.constant 4096 : i32
    %broadcast_in_dim3A_212 = vector.broadcast %jit3A_211 : i32 to vector<256x4096xi32>
    %select_n3A_213 = arith.select %eq3A_210, %iota3A, %broadcast_in_dim3A_212 : vector<256x4096xi1>, vector<256x4096xi32>
    %reduce_min3A_214 = arith.constant dense<2147483647> : vector<256xi32>
    %reduce_min3A_215 = vector.multi_reduction <minsi>, %select_n3A_213, %reduce_min3A_214 [1] : vector<256x4096xi32> to vector<256xi32>
    %broadcast_in_dim3A_216 = vector.shape_cast %reduce_min3A_215 : vector<256xi32> to vector<256x1xi32>
    %eq3A_217 = vector.broadcast %broadcast_in_dim3A_216 : vector<256x1xi32> to vector<256x4096xi32>
    %eq3A_218 = arith.cmpi eq, %iota3A, %eq3A_217 : vector<256x4096xi32>
    %jit3A_219 = arith.constant -3.000000e+38 : f32
    %broadcast_in_dim3A_220 = vector.broadcast %jit3A_219 : f32 to vector<256x4096xf32>
    %select_n3A_221 = arith.select %eq3A_218, %broadcast_in_dim3A_220, %select_n3A_205 : vector<256x4096xi1>, vector<256x4096xf32>
    %reduce_max3A_222 = arith.constant dense<0xFF800000> : vector<256xf32>
    %reduce_max3A_223 = vector.multi_reduction <maximumf>, %select_n3A_221, %reduce_max3A_222 [1] : vector<256x4096xf32> to vector<256xf32>
    %broadcast_in_dim3A_224 = vector.shape_cast %reduce_max3A_223 : vector<256xf32> to vector<256x1xf32>
    %eq3A_225 = vector.broadcast %broadcast_in_dim3A_224 : vector<256x1xf32> to vector<256x4096xf32>
    %eq3A_226 = arith.cmpf oeq, %select_n3A_221, %eq3A_225 : vector<256x4096xf32>
    %jit3A_227 = arith.constant 4096 : i32
    %broadcast_in_dim3A_228 = vector.broadcast %jit3A_227 : i32 to vector<256x4096xi32>
    %select_n3A_229 = arith.select %eq3A_226, %iota3A, %broadcast_in_dim3A_228 : vector<256x4096xi1>, vector<256x4096xi32>
    %reduce_min3A_230 = arith.constant dense<2147483647> : vector<256xi32>
    %reduce_min3A_231 = vector.multi_reduction <minsi>, %select_n3A_229, %reduce_min3A_230 [1] : vector<256x4096xi32> to vector<256xi32>
    %broadcast_in_dim3A_232 = vector.shape_cast %reduce_min3A_231 : vector<256xi32> to vector<256x1xi32>
    %eq3A_233 = vector.broadcast %broadcast_in_dim3A_232 : vector<256x1xi32> to vector<256x4096xi32>
    %eq3A_234 = arith.cmpi eq, %iota3A, %eq3A_233 : vector<256x4096xi32>
    %jit3A_235 = arith.constant -3.000000e+38 : f32
    %broadcast_in_dim3A_236 = vector.broadcast %jit3A_235 : f32 to vector<256x4096xf32>
    %select_n3A_237 = arith.select %eq3A_234, %broadcast_in_dim3A_236, %select_n3A_221 : vector<256x4096xi1>, vector<256x4096xf32>
    %reduce_max3A_238 = arith.constant dense<0xFF800000> : vector<256xf32>
    %reduce_max3A_239 = vector.multi_reduction <maximumf>, %select_n3A_237, %reduce_max3A_238 [1] : vector<256x4096xf32> to vector<256xf32>
    %broadcast_in_dim3A_240 = vector.shape_cast %reduce_max3A_239 : vector<256xf32> to vector<256x1xf32>
    %eq3A_241 = vector.broadcast %broadcast_in_dim3A_240 : vector<256x1xf32> to vector<256x4096xf32>
    %eq3A_242 = arith.cmpf oeq, %select_n3A_237, %eq3A_241 : vector<256x4096xf32>
    %jit3A_243 = arith.constant 4096 : i32
    %broadcast_in_dim3A_244 = vector.broadcast %jit3A_243 : i32 to vector<256x4096xi32>
    %select_n3A_245 = arith.select %eq3A_242, %iota3A, %broadcast_in_dim3A_244 : vector<256x4096xi1>, vector<256x4096xi32>
    %reduce_min3A_246 = arith.constant dense<2147483647> : vector<256xi32>
    %reduce_min3A_247 = vector.multi_reduction <minsi>, %select_n3A_245, %reduce_min3A_246 [1] : vector<256x4096xi32> to vector<256xi32>
    %broadcast_in_dim3A_248 = vector.shape_cast %reduce_min3A_247 : vector<256xi32> to vector<256x1xi32>
    %concatenate3A = tpu.concatenate %broadcast_in_dim3A, %broadcast_in_dim3A_16, %broadcast_in_dim3A_32, %broadcast_in_dim3A_48, %broadcast_in_dim3A_64, %broadcast_in_dim3A_80, %broadcast_in_dim3A_96, %broadcast_in_dim3A_112, %broadcast_in_dim3A_128, %broadcast_in_dim3A_144, %broadcast_in_dim3A_160, %broadcast_in_dim3A_176, %broadcast_in_dim3A_192, %broadcast_in_dim3A_208, %broadcast_in_dim3A_224, %broadcast_in_dim3A_240 in 1 : vector<256x1xf32>, vector<256x1xf32>, vector<256x1xf32>, vector<256x1xf32>, vector<256x1xf32>, vector<256x1xf32>, vector<256x1xf32>, vector<256x1xf32>, vector<256x1xf32>, vector<256x1xf32>, vector<256x1xf32>, vector<256x1xf32>, vector<256x1xf32>, vector<256x1xf32>, vector<256x1xf32>, vector<256x1xf32> -> vector<256x16xf32>
    %concatenate3A_249 = tpu.concatenate %broadcast_in_dim3A_8, %broadcast_in_dim3A_24, %broadcast_in_dim3A_40, %broadcast_in_dim3A_56, %broadcast_in_dim3A_72, %broadcast_in_dim3A_88, %broadcast_in_dim3A_104, %broadcast_in_dim3A_120, %broadcast_in_dim3A_136, %broadcast_in_dim3A_152, %broadcast_in_dim3A_168, %broadcast_in_dim3A_184, %broadcast_in_dim3A_200, %broadcast_in_dim3A_216, %broadcast_in_dim3A_232, %broadcast_in_dim3A_248 in 1 : vector<256x1xi32>, vector<256x1xi32>, vector<256x1xi32>, vector<256x1xi32>, vector<256x1xi32>, vector<256x1xi32>, vector<256x1xi32>, vector<256x1xi32>, vector<256x1xi32>, vector<256x1xi32>, vector<256x1xi32>, vector<256x1xi32>, vector<256x1xi32>, vector<256x1xi32>, vector<256x1xi32>, vector<256x1xi32> -> vector<256x16xi32>
    %slice3A = vector.extract_strided_slice %concatenate3A {offsets = [0, 0], sizes = [256, 1], strides = [1, 1]} : vector<256x16xf32> to vector<256x1xf32>
    %sub3A = vector.broadcast %slice3A : vector<256x1xf32> to vector<256x16xf32>
    %sub3A_250 = arith.subf %concatenate3A, %sub3A : vector<256x16xf32>
    %exp3A = math.exp %sub3A_250 : vector<256x16xf32>
    %reduce_sum3A = arith.constant dense<0.000000e+00> : vector<256xf32>
    %reduce_sum3A_251 = vector.multi_reduction <add>, %exp3A, %reduce_sum3A [1] : vector<256x16xf32> to vector<256xf32>
    %broadcast_in_dim3A_252 = vector.shape_cast %reduce_sum3A_251 : vector<256xf32> to vector<256x1xf32>
    %div3A = vector.broadcast %broadcast_in_dim3A_252 : vector<256x1xf32> to vector<256x16xf32>
    %div3A_253 = arith.divf %exp3A, %div3A : vector<256x16xf32>
    %swap3A = arith.constant 0 : index
    %swap3A_254 = arith.constant 0 : index
    %swap3A_255 = arith.constant 0 : index
    %swap3A_256 = vector.load %arg3[%swap3A, %swap3A_254, %swap3A_255] : memref<1x256x16xf32, #tpu.memory_space<vmem>>, vector<1x256x16xf32>
    %swap3A_257 = vector.shape_cast %swap3A_256 : vector<1x256x16xf32> to vector<256x16xf32>
    %swap3A_258 = vector.shape_cast %div3A_253 : vector<256x16xf32> to vector<1x256x16xf32>
    tpu.vector_store %arg3[%swap3A, %swap3A_254, %swap3A_255], %swap3A_258 {strides = array<i32>} : memref<1x256x16xf32, #tpu.memory_space<vmem>>, vector<1x256x16xf32>,
    %swap3A_259 = arith.constant 0 : index
    %swap3A_260 = arith.constant 0 : index
    %swap3A_261 = arith.constant 0 : index
    %swap3A_262 = vector.load %arg4[%swap3A_259, %swap3A_260, %swap3A_261] : memref<1x256x16xi32, #tpu.memory_space<vmem>>, vector<1x256x16xi32>
    %swap3A_263 = vector.shape_cast %swap3A_262 : vector<1x256x16xi32> to vector<256x16xi32>
    %swap3A_264 = vector.shape_cast %concatenate3A_249 : vector<256x16xi32> to vector<1x256x16xi32>
    tpu.vector_store %arg4[%swap3A_259, %swap3A_260, %swap3A_261], %swap3A_264 {strides = array<i32>} : memref<1x256x16xi32, #tpu.memory_space<vmem>>, vector<1x256x16xi32>,
    return
  }
  func.func @transform_0(%arg0: i32, %arg1: i32) -> (i32, i32, i32) {
    %c0_i32 = arith.constant 0 : i32
    %c0_i32_0 = arith.constant 0 : i32
    return %arg0, %arg1, %c0_i32 : i32, i32, i32
  }
  func.func @transform_1(%arg0: i32, %arg1: i32) -> (i32, i32, i32) {
    %c0_i32 = arith.constant 0 : i32
    %c0_i32_0 = arith.constant 0 : i32
    return %arg0, %arg1, %c0_i32 : i32, i32, i32
  }
  func.func @transform_2(%arg0: i32, %arg1: i32) -> (i32, i32, i32) {
    %c0_i32 = arith.constant 0 : i32
    %c0_i32_0 = arith.constant 0 : i32
    return %arg0, %arg1, %c0_i32 : i32, i32, i32
  }
}

</mosaic_0001>

<sc_bundles>
// kernel: kernel.6.cloned.1.call-start
scs
__scs_entry_jumppad:
0x0: {  	(pc) =	sbr.rel $0x88, $3  }
0x1: {  	(tag) =	ssettag $0x0;
	lr =	simm.s32 $0x1  }
0x2: {  	[smem:$0x3F9E] =	sst lr;
	_ =	strace $0xD0000000  }
0x3: {  	_ = 	snop  }
0x4: {  	_ = 	snop  }
0x5: {  	_ = 	snop  }
0x6: {  	_ = 	snop  }
0x7: {  	_ = 	snop  }
__scs_overlays_trampoline_lowered:
0x8: {  	[smem:$0x3FAD] =	sst s0  }
0x9: {  	[smem:$0x3FAE] =	sst s1  }
0xa: {  	[smem:$0x3FAF] =	sst s2  }
0xb: {  	[smem:$0x3FB0] =	sst s3  }
0xc: {  	[smem:$0x3FB1] =	sst s4  }
0xd: {  	[smem:$0x3FB2] =	sst s5  }
0xe: {  	[smem:$0x3FB3] =	sst s6  }
0xf: {  	[smem:$0x3FB4] =	sst s7  }
0x10: {  	[smem:$0x3FB5] =	sst s8  }
0x11: {  	[smem:$0x3FB6] =	sst s9;
	s0 =	simm.s32 @!p0 $0x0  }
0x12: {  	s1 =	sld [smem:$0x3F9C];
	s0 =	simm.s32 @p0 $0x1  }
0x13: {  	[smem:$0x3FB7] =	sst s0;
	s0 =	simm.s32 @!p1 $0x0  }
0x14: {  	s2 =	sld [smem:$0x3F9B];
	s0 =	simm.s32 @p1 $0x1  }
0x15: {  	[smem:$0x3FB8] =	sst s0;
	s0 =	simm.s32 @!p2 $0x0  }
0x16: {  	s3 =	sld [smem:$0x3FDB];
	s0 =	simm.s32 @p2 $0x1  }
0x17: {  	s4 =	simm.s32 $0x1BF5;
	[smem:$0x3FBA] =	sst s0  }
0x18: {  	s0 =	sld [smem:$0x3F9D];
	_ =	swait.ge [sflag:s4], $0x0  }
0x19: {  	s7 =	sld [smem:$0x3F9E]  }
0x1a: {  	s8 =	sadd.s32 $0xFFFFE003, lr  }
0x1b: {  	s9 =	sadd.s32 $0xFFFFFEF7, lr;
	s5 =	simm.s32 $0xFFFFFFFF;
	p2 =	slt.u32 s8, $0xFFFFF086  }
0x1c: {  	p1 =	slt.u32 s9, $0xF7A;
	s5 =	simm.s32 @!p2 $0x0  }
0x1d: {  	s5 =	simm.s32 @p1 $0x1;
	p0 =	seq.s32 s7, s2  }
0x1e: {  	s7 =	smul.u32 @!p0 $0xF7A, s2;
	p2 =	seq.s32 @!p0 s5, $0x0  }
0x1f: {  	s9 =	smul.u32 $0xF7A, s1;
	s8 =	simm.s32 @!p0 $0x1BF5;
	p2 =	por !p2, p0  }
0x20: {  	[sflag:s8] =	ssyncset.s32 @!p0 $0xFFFFF086;
	s6 =	sadd.s32 @!p0 s3, s7;
	s7 =	simm.s32 @!p0 $0x108  }
0x21: {  	s3 =	sadd.s32 s3, s9;
	s6 =	sadd.s32 @!p0 $0x88, s6;
	s7 =	simm.s32 @p2 $0x1082  }
0x22: {  	[simem:s7], [sflag:s8] =	dma.local @!p0 [hbm:s6], $0xF7A  }
0x23: {  	s9 =	sor.u32 $0xD0000000, s2;
	s6 =	simm.s32 $0x108;
	_ =	swait.ge @!p0 [sflag:s8], $0x0  }
0x24: {  	s3 =	sadd.s32 $0x88, s3;
	s6 =	simm.s32 @!p1 $0x1082;
	[sflag:s4] =	ssyncset.s32 $0xFFFFF086  }
0x25: {  	[simem:s6], [sflag:s4] =	dma.local [hbm:s3], $0xF7A  }
0x26: {  	[smem:$0x3F9E] =	sst s1;
	(tag) =	ssettag s2;
	_ =	strace s9  }
0x27: {  	s1 =	sld [smem:$0x3FAE]  }
0x28: {  	s2 =	sld [smem:$0x3FAF]  }
0x29: {  	s4 =	sld [smem:$0x3FB1]  }
0x2a: {  	p0 =	seq.s32 s5, $0x0;
	s5 =	sld [smem:$0x3FB2]  }
0x2b: {  	s6 =	sld [smem:$0x3FB3]  }
0x2c: {  	s7 =	sld [smem:$0x3FB4]  }
0x2d: {  	s3 =	simm.s32 $0x108;
	s8 =	sld [smem:$0x3FB5]  }
0x2e: {  	s3 =	simm.s32 @!p0 $0x1082;
	s9 =	sld [smem:$0x3FB6]  }
0x2f: {  	lr =	sadd.s32 s0, s3;
	s0 =	sld [smem:$0x3FAD]  }
0x30: {  	s3 =	sld [smem:$0x3FB0]  }
0x31: {  	[smem:$0x3FB9] =	sst s10  }
0x32: {  	s10 =	sld [smem:$0x3FB7];
	_ =	sdelay $0x3  }
0x33: {  	p0 =	seq.s32 s10, $0x1;
	s10 =	sld [smem:$0x3FB9];
	_ =	sdelay $0x3  }
0x34: {  	[smem:$0x3FB9] =	sst s10  }
0x35: {  	s10 =	sld [smem:$0x3FB8];
	_ =	sdelay $0x3  }
0x36: {  	p1 =	seq.s32 s10, $0x1;
	s10 =	sld [smem:$0x3FB9];
	_ =	sdelay $0x3  }
0x37: {  	[smem:$0x3FB9] =	sst s10  }
0x38: {  	s10 =	sld [smem:$0x3FBA]  }
0x39: {  	_ = 	snop;
	(pc) =	sbr.ind lr, $3  }
0x3a: {  	_ = 	snop  }
0x3b: {  	_ = 	snop  }
0x3c: {  	p2 =	seq.s32 s10, $0x1;
	s10 =	sld [smem:$0x3FB9]  }
0x3d: {  	_ =	shalt  }
0x3e: {  	_ =	shalt  }
0x3f: {  	_ =	shalt  }
0x40: {  	_ =	shalt  }
0x41: {  	_ =	shalt  }
0x42: {  	_ =	shalt  }
0x43: {  	_ =	shalt  }
0x44: {  	_ =	shalt  }
0x45: {  	_ =	shalt  }
0x46: {  	_ =	shalt  }
0x47: {  	_ =	shalt  }
0x48: {  	_ =	shalt  }
0x49: {  	_ =	shalt  }
0x4a: {  	_ =	shalt  }
0x4b: {  	_ =	shalt  }
0x4c: {  	_ =	shalt  }
0x4d: {  	_ =	shalt  }
0x4e: {  	_ =	shalt  }
0x4f: {  	_ =	shalt  }
0x50: {  	_ =	shalt  }
0x51: {  	_ =	shalt  }
0x52: {  	_ =	shalt  }
0x53: {  	_ =	shalt  }
0x54: {  	_ =	shalt  }
0x55: {  	_ =	shalt  }
0x56: {  	_ =	shalt  }
0x57: {  	_ =	shalt  }
0x58: {  	_ =	shalt  }
0x59: {  	_ =	shalt  }
0x5a: {  	_ =	shalt  }
0x5b: {  	_ =	shalt  }
0x5c: {  	_ =	shalt  }
0x5d: {  	_ =	shalt  }
0x5e: {  	_ =	shalt  }
0x5f: {  	_ =	shalt  }
0x60: {  	_ =	shalt  }
0x61: {  	_ =	shalt  }
0x62: {  	_ =	shalt  }
0x63: {  	_ =	shalt  }
0x64: {  	_ =	shalt  }
0x65: {  	_ =	shalt  }
0x66: {  	_ =	shalt  }
0x67: {  	_ =	shalt  }
0x68: {  	_ =	shalt  }
0x69: {  	_ =	shalt  }
0x6a: {  	_ =	shalt  }
0x6b: {  	_ =	shalt  }
0x6c: {  	_ =	shalt  }
0x6d: {  	_ =	shalt  }
0x6e: {  	_ =	shalt  }
0x6f: {  	_ =	shalt  }
0x70: {  	_ =	shalt  }
0x71: {  	_ =	shalt  }
0x72: {  	_ =	shalt  }
0x73: {  	_ =	shalt  }
0x74: {  	_ =	shalt  }
0x75: {  	_ =	shalt  }
0x76: {  	_ =	shalt  }
0x77: {  	_ =	shalt  }
0x78: {  	_ =	shalt  }
0x79: {  	_ =	shalt  }
0x7a: {  	_ =	shalt  }
0x7b: {  	_ =	shalt  }
0x7c: {  	_ =	shalt  }
0x7d: {  	_ =	shalt  }
0x7e: {  	_ =	shalt  }
0x7f: {  	_ =	shalt  }
0x80: {  	_ =	shalt  }
0x81: {  	_ =	shalt  }
0x82: {  	_ =	shalt  }
0x83: {  	_ =	shalt  }
0x84: {  	_ =	shalt  }
0x85: {  	_ =	shalt  }
0x86: {  	_ =	shalt  }
0x87: {  	_ =	shalt  }
.Lfunc_end0:
.L_simem_size_0:
called_computation_lowered:
.L_overlay_start_0:
0x88: {  	s2 =	sld [smem:$0x3FD9]  }
0x89: {  	s3 =	sld [smem:$0x3FFE];
	_ =	sdelay $0x1  }
0x8a: {  	s1 =	srdreg.scid  }
0x8b: {  	s0 =	sand.u32 $0x1, s1  }
0x8c: {  	s17 =	sshll.u32 s0, $0xA;
	s2 =	sadd.s32 s3, s2  }
0x8d: {  	s2 =	sadd.s32 s2, s17  }
0x8e: {  	[smem:$0x3FC5] =	sst s2  }
0x8f: {  	_ = 	snop  }
0x90: {  	s2 =	sld [smem:$0x3FD0];
	(tm) =	ssettm $0x1  }
0x91: {  	s18 =	sld [smem:$0x3FFB];
	_ =	sdelay $0x3  }
0x92: {  	_ =	strace s18  }
0x93: {  	s3 =	sld [smem:$0x3FFC];
	_ =	sdelay $0x3  }
0x94: {  	_ =	strace s3  }
0x95: {  	s3 =	sld [smem:$0x3FFD];
	_ =	sdelay $0x3  }
0x96: {  	_ =	strace s3  }
0x97: {  	_ =	strace $0x8FFFFFFF  }
0x98: {  	s19 =	sld [smem:$0x3FDB];
	_ =	sdelay $0x1  }
0x99: {  	s4 =	simm.s32 $_scs_section_size  }
0x9a: {  	s5 =	simm.s32 $_size__tile_overlayer_lowered;
	s6 =	simm.s32 $_tile_overlayer_lowered  }
0x9b: {  	s22 =	simm.s32 $0x1BFF;
	s21 =	sshll.u32 s6, $0x1;
	s3 =	sadd.s32 s4, s19  }
0x9c: {  	s7 =	simm.s32 $0x0;
	s20 =	sshll.u32 s5, $0x1;
	s5 =	sadd.s32 s21, s3  }
0x9d: {  	[timem:s7], [sflag:s22] =	dma.local [hbm:s5], s20  }
0x9e: {  	_ =	swait.ge [sflag:s22], s20  }
0x9f: {  	s4 =	ssub.s32 $0x0, s20;
	[sflag:s22] =	ssyncset.done $0x0  }
0xa0: {  	[sflag:s22] =	ssyncadd.s32 s4;
	_ =	sdelay $0x1  }
0xa1: {  	s23 =	simm.s32 $0x1B8B  }
0xa2: {  	_ =	swait.ge [sflag:s23], $0x1  }
0xa3: {  	[sflag:s23] =	ssyncset.done $0x0  }
0xa4: {  	s25 =	simm.s32 $0x1B8E;
	s24 =	sld [smem:$0x3FFE];
	[sflag:s23] =	ssyncadd.s32 $0xFFFFFFFF  }
0xa5: {  	s26 =	simm.s32 $execute0_lowered;
	[smem:$0x3FD2] =	sst s25  }
0xa6: {  	s5 =	sshll.u32 s26, $0x1;
	_ =	strace $0x80000046;
	[dreg:$0x1] =	wrdreg $0xFFFFFFFF  }
0xa7: {  	s28 =	simm.s32 $_size_execute0_lowered;
	s3 =	sadd.s32 s3, s5;
	[dreg:$0x0] =	wrdreg $0x0  }
0xa8: {  	s5 =	sshll.u32 s28, $0x1;
	[dreg:$0x2] =	wrdreg s3  }
0xa9: {  	[dreg:$0x3] =	wrdreg s5  }
0xaa: {  	[dreg:$0x4] =	wrdreg $0xC0  }
0xab: {  	_ =	task [dreg:s7], $0x5FFFF  }
0xac: {  	[dreg:$0x1] =	wrdreg $0xFFFFFFFF  }
0xad: {  	[dreg:$0x0] =	wrdreg $0x60  }
0xae: {  	[dreg:$0x2] =	wrdreg s2  }
0xaf: {  	[dreg:$0x3] =	wrdreg s24  }
0xb0: {  	[dreg:$0x4] =	wrdreg $0x9  }
0xb1: {  	_ =	task.clear_ibuf [dreg:s7], $0x5FFFF;
	_ =	strace $0x90000046  }
0xb2: {  	s29 =	simm.s32 $0x9;
	_ =	strace $0x80000048  }
0xb3: {  	_ =	swait.ge [sflag:s29], $0x1  }
0xb4: {  	[sflag:s29] =	ssyncadd.s32 $0xFFFFFFFF  }
0xb5: {  	_ =	strace $0x90000048  }
0xb6: {  	_ =	sfence  }
0xb7: {  	s30 =	sld [smem:$0x0];
	_ =	sdelay $0x2  }
0xb8: {  	s31 =	sshll.u32 s1, $0xD;
	s1 =	sshrl.u32 s1, $0x2  }
0xb9: {  	s3 =	sand.u32 $0x4000, s31;
	s1 =	sadd.s32 s1, s30  }
0xba: {  	s0 =	sor.u32 s3, s0;
	s1 =	sshll.u32 s1, $0x11  }
0xbb: {  	s0 =	sor.u32 s1, s0  }
0xbc: {  	s0 =	sadd.s32 $0x8F2B, s0  }
0xbd: {  	[sflag:s0] =	ssyncadd.remote.s32 $0x1  }
0xbe: {  	_ =	sfence.sel $0xFFFF  }
0xbf: {  	[dreg:$0x0] =	wrdreg $0xFFFFFFFF;
	(pc) =	sbr.abs _section_cstart, $3  }
0xc0: {  	[dreg:$0x1] =	wrdreg $0xFFFFFFFF  }
0xc1: {  	_ =	task.clear_ibuf [dreg:s7], $0x2FFFF;
	_ =	strace $0x9FFFFFFF  }
0xc2: {  	(tm) =	ssettm $0x7FFFFFFF  }
0xc3: {  	_ =	shalt  }
tec
execute0_lowered:
.L_overlay_start_1:
0x0: {  	(tag) =	ssettag $0x1  }
0x1: {  	s30 =	rddreg [dreg:$0x0]  }
0x2: {  	s0 =	rddreg [dreg:$0x1];
	s3 =	simm.s32 $0x0;
	s1 =	srdreg.scid  }
0x3: {  	s5 =	stileid.u32;
	s9 =	simm.s32 $0x80;
	s10 =	simm.s32 $0x400  }
0x4: {  	s11 =	simm.s32 $0x1;
	s12 =	simm.s32 $0x1000;
	s13 =	simm.s32 $0x3000  }
0x5: {  	s14 =	simm.s32 $0x3080;
	s15 =	simm.s32 $0x2000;
	s1 =	sand.u32 $0x1, s1  }
.Ltmp0:
0x6: {  	[smem:$0x7FF] =	sst s3;
	s2 =	ssub.s32 $0x2, s1;
	(pc) =	sbr.rel .LBB2_1-.Ltmp0, $4  }
0x7: {  	s4 =	sadd.s32 $0x4800, s0;
	s6 =	sshll.u32 s5, $0x1;
	s7 =	sshrl.u32 s2, $0x1  }
0x8: {  	s5 =	sadd.s32 $0xA800, s0;
	_ =	strace $0x80000047;
	s31 =	ssub.s32 s2, s7  }
0x9: {  	s1 =	sor.u32 s1, s6;
	s6 =	sadd.s32 $0x10800, s0;
	s0 =	smax.u32 s31, $0x1  }
0xa: {  	s7 =	smul.u32 $0x30, s1;
	s1 =	simm.s32 $0x0;
	[dreg:$0x3] =	wrdreg s0  }
.LBB2_17:
0xb: {  	s1 =	rddreg [dreg:$0x4]  }
0xc: {  	s0 =	rddreg [dreg:$0x3];
	s1 =	sadd.s32 $0x1, s1  }
0xd: {  	p0 =	sne.s32 s1, s0  }
.Ltmp1:
0xe: {  	_ = 	snop;
	(pc) =	sbr.rel @!p0 .LBB2_18-.Ltmp1, $1  }
0xf: {  	_ =	sdelay $0x3  }
.LBB2_1:
.Ltmp2:
0x10: {  	(pc) =	sbr.rel .LBB2_2-.Ltmp2, $2  }
0x11: {  	_ =	sdelay $0x2  }
0x12: {  	[dreg:$0x4] =	wrdreg s1;
	s17 =	simm.s32 $0x0  }
.LBB2_16:
0x13: {  	s17 =	sadd.s32 $0x1, s17  }
0x14: {  	p0 =	sne.s32 s17, $0x30  }
.Ltmp3:
0x15: {  	s0 =	sadd.s32 s6, s18;
	(pc) =	sbr.rel @!p0 .LBB2_17-.Ltmp3, $4  }
0x16: {  	[hbm4b:s0+s9] =	stream.strided.scatter [tilespmem:s15], [sflag:$0x1], $0x1000, s10, s9, $0x38;
	[tilespmem:$0x3100] =	vst v63  }
0x17: {  	_ =	swait.ge [sflag:s11], $0x1000  }
0x18: {  	[sflag:s11] =	ssyncset.done $0x0  }
0x19: {  	[sflag:s11] =	ssyncadd.s32 $0xFFFFF000  }
.LBB2_2:
0x1a: {  	s0 =	sadd.s32 s7, s17  }
0x1b: {  	s1 =	sshll.u32 s17, $0x7;
	s0 =	sshrl.u32 s0, $0x3  }
0x1c: {  	s1 =	sand.u32 $0x380, s1;
	s2 =	sshll.u32 s0, $0xF  }
0x1d: {  	s2 =	sor.u32 s1, s2  }
0x1e: {  	s18 =	sshrl.u32 s2, $0x3  }
0x1f: {  	s2 =	sadd.s32 s30, s18  }
0x20: {  	[tilespmem:s3], [sflag:$0x1] =	stream.strided.gather [hbm4b:s2+s9], $0x1000, s10, s9, $0x38;
	[tilespmem:$0x3100] =	vst v63  }
0x21: {  	_ =	swait.ge [sflag:s11], $0x1000  }
0x22: {  	[sflag:s11] =	ssyncset.done $0x0  }
0x23: {  	s0 =	sshll.u32 s0, $0xA;
	[sflag:s11] =	ssyncadd.s32 $0xFFFFF000  }
0x24: {  	[tilespmem:s12], [sflag:$0x1] =	stream.strided.gather [hbm4b:s2+s9], $0x1000, s10, s9, $0x38;
	[tilespmem:$0x3100] =	vst v63  }
0x25: {  	s0 =	sor.u32 s1, s0;
	_ =	swait.ge [sflag:s11], $0x1000  }
0x26: {  	s0 =	sshrl.u32 s0, $0x3;
	[sflag:s11] =	ssyncset.done $0x0  }
0x27: {  	s31 =	sadd.s32 s4, s0;
	[sflag:s11] =	ssyncadd.s32 $0xFFFFF000  }
0x28: {  	[tilespmem:s13], [sflag:$0x1] =	stream.linear.gather [hbm4b:s31+s3], $0x80, $0x38;
	[tilespmem:$0x3100] =	vst v63  }
0x29: {  	_ =	swait.ge [sflag:s11], $0x80  }
0x2a: {  	[sflag:s11] =	ssyncset.done $0x0  }
0x2b: {  	s0 =	sadd.s32 s5, s0;
	[sflag:s11] =	ssyncadd.s32 $0xFFFFFF80  }
0x2c: {  	[tilespmem:s14], [sflag:$0x1] =	stream.linear.gather [hbm4b:s0+s3], $0x80, $0x38;
	[tilespmem:$0x3100] =	vst v63  }
0x2d: {  	_ =	swait.ge [sflag:s11], $0x80  }
0x2e: {  	[sflag:s11] =	ssyncset.done $0x0  }
0x2f: {  	[sflag:s11] =	ssyncadd.s32 $0xFFFFFF80  }
0x30: {  	v2 =	vld [tilespmem:$0x3080];
	_ =	sdelay $0x4  }
0x31: {  	v0 =	vshll.u32 v2, $0x2  }
0x32: {  	v0 =	vshra.s32 v0, $0x2  }
0x33: {  	v1 =	vadd.s32 $0x20, v0  }
0x34: {  	(v2sf) =	vpush v1, $0x3  }
0x35: {  	(v2sf) =	vpush v1, $0x2  }
0x36: {  	(v2sf) =	vpush v1, $0x1  }
0x37: {  	(v2sf) =	vpush v1, $0x0;
	_ =	sdelay $0xb  }
0x38: {  	s0 =	spop (v2sf)  }
0x39: {  	s8 =	spop (v2sf)  }
0x3a: {  	v0 =	vld [tilespmem:$0x3000];
	s19 =	spop (v2sf)  }
0x3b: {  	s20 =	spop (v2sf);
	v6 =	vld [tilespmem:s19+$0xFFFFFFE0]  }
0x3c: {  	v7 =	vld [tilespmem:s20+$0xFFFFFFE0];
	_ =	sdelay $0x1  }
0x3d: {  	v8 =	vld [tilespmem:s8+$0xFFFFFFE0]  }
0x3e: {  	v3 =	vbroadcast v0, $0x0;
	v4 =	vbroadcast v0, $0x1  }
0x3f: {  	v5 =	vbroadcast v0, $0x2;
	v9 =	vld [tilespmem:s0+$0xFFFFFFE0]  }
0x40: {  	v10 =	vmul.f32 v6, v4;
	v7 =	vmul.f32 v7, v3;
	_ =	sdelay $0x1  }
0x41: {  	v8 =	vmul.f32 v8, v5;
	v6 =	vbroadcast v0, $0x3;
	v7 =	vadd.f32 v10, v7;
	_ =	sdelay $0x1  }
0x42: {  	v7 =	vadd.f32 v8, v7;
	v8 =	vmul.f32 v9, v6;
	_ =	sdelay $0x1  }
0x43: {  	v7 =	vadd.f32 v8, v7  }
0x44: {  	s2 =	simm.s32 $0x2020  }
0x45: {  	[tilespmem:s2+$0xFFFFFFE0] =	vst v7  }
0x46: {  	v7 =	vld [tilespmem:s20+$0xFFFFFFF0]  }
0x47: {  	v8 =	vld [tilespmem:s19+$0xFFFFFFF0];
	_ =	sdelay $0x1  }
0x48: {  	v9 =	vld [tilespmem:s8+$0xFFFFFFF0];
	_ =	sdelay $0x1  }
0x49: {  	v10 =	vld [tilespmem:s0+$0xFFFFFFF0]  }
0x4a: {  	v7 =	vmul.f32 v7, v3;
	v8 =	vmul.f32 v8, v4;
	_ =	sdelay $0x1  }
0x4b: {  	v7 =	vadd.f32 v8, v7;
	v8 =	vmul.f32 v9, v5;
	_ =	sdelay $0x1  }
0x4c: {  	v7 =	vadd.f32 v8, v7;
	v8 =	vmul.f32 v10, v6;
	_ =	sdelay $0x1  }
0x4d: {  	v7 =	vadd.f32 v8, v7;
	_ =	sdelay $0x1  }
0x4e: {  	[tilespmem:s2+$0xFFFFFFF0] =	vst v7  }
0x4f: {  	v7 =	vld [tilespmem:s20+$0x0]  }
0x50: {  	v8 =	vld [tilespmem:s19+$0x0];
	_ =	sdelay $0x1  }
0x51: {  	v9 =	vld [tilespmem:s8+$0x0];
	_ =	sdelay $0x1  }
0x52: {  	v10 =	vld [tilespmem:s0+$0x0]  }
0x53: {  	v7 =	vmul.f32 v7, v3;
	v8 =	vmul.f32 v8, v4;
	_ =	sdelay $0x1  }
0x54: {  	v7 =	vadd.f32 v8, v7;
	v8 =	vmul.f32 v9, v5;
	_ =	sdelay $0x1  }
0x55: {  	v7 =	vadd.f32 v8, v7;
	v8 =	vmul.f32 v10, v6;
	_ =	sdelay $0x1  }
0x56: {  	v7 =	vadd.f32 v8, v7;
	_ =	sdelay $0x1  }
0x57: {  	[tilespmem:s2+$0x0] =	vst v7  }
0x58: {  	v7 =	vld [tilespmem:s20+$0x10]  }
0x59: {  	v8 =	vld [tilespmem:s19+$0x10];
	_ =	sdelay $0x1  }
0x5a: {  	v9 =	vld [tilespmem:s8+$0x10]  }
0x5b: {  	v10 =	vld [tilespmem:s0+$0x10];
	_ =	sdelay $0x1  }
0x5c: {  	v7 =	vmul.f32 v7, v3;
	v11 =	vmul.f32 v8, v4;
	_ =	sdelay $0x1  }
0x5d: {  	s1 =	simm.s32 $0x0;
	s16 =	sadd.s32 $0x40, s8;
	v8 =	vmul.f32 v9, v5;
	v9 =	vadd.f32 v11, v7  }
0x5e: {  	s19 =	sadd.s32 $0x40, s19;
	s20 =	sadd.s32 $0x40, s20;
	s8 =	simm.s32 $0x2020;
	v7 =	vmul.f32 v10, v6  }
.LBB2_3:
0x5f: {  	s1 =	sadd.s32 $0x4, s1;
	v8 =	vadd.f32 v8, v9;
	s2 =	sadd.s32 $0x40, s2;
	s0 =	sadd.s32 $0x40, s0  }
0x60: {  	p0 =	slt.u32 s1, $0xFC  }
0x61: {  	v7 =	vadd.f32 v7, v8;
	_ =	sdelay $0x1  }
0x62: {  	[tilespmem:s8+$0x10] =	vst v7;
	s8 =	smov.u32 s2  }
0x63: {  	v7 =	vld [tilespmem:s19+$0xFFFFFFE0]  }
0x64: {  	v8 =	vld [tilespmem:s20+$0xFFFFFFE0];
	_ =	sdelay $0x1  }
0x65: {  	v9 =	vld [tilespmem:s16+$0xFFFFFFE0];
	_ =	sdelay $0x1  }
0x66: {  	v10 =	vld [tilespmem:s0+$0xFFFFFFE0]  }
0x67: {  	v7 =	vmul.f32 v7, v4;
	v8 =	vmul.f32 v8, v3;
	_ =	sdelay $0x1  }
0x68: {  	v7 =	vadd.f32 v7, v8;
	v8 =	vmul.f32 v9, v5;
	_ =	sdelay $0x1  }
0x69: {  	v7 =	vadd.f32 v8, v7;
	v8 =	vmul.f32 v10, v6;
	_ =	sdelay $0x1  }
0x6a: {  	v7 =	vadd.f32 v8, v7;
	_ =	sdelay $0x1  }
0x6b: {  	[tilespmem:s2+$0xFFFFFFE0] =	vst v7  }
0x6c: {  	v7 =	vld [tilespmem:s20+$0xFFFFFFF0]  }
0x6d: {  	v8 =	vld [tilespmem:s19+$0xFFFFFFF0];
	_ =	sdelay $0x1  }
0x6e: {  	v9 =	vld [tilespmem:s16+$0xFFFFFFF0];
	_ =	sdelay $0x1  }
0x6f: {  	v10 =	vld [tilespmem:s0+$0xFFFFFFF0]  }
0x70: {  	v7 =	vmul.f32 v7, v3;
	v8 =	vmul.f32 v8, v4;
	_ =	sdelay $0x1  }
0x71: {  	v7 =	vadd.f32 v8, v7;
	v8 =	vmul.f32 v9, v5;
	_ =	sdelay $0x1  }
0x72: {  	v7 =	vadd.f32 v8, v7;
	v8 =	vmul.f32 v10, v6;
	_ =	sdelay $0x1  }
0x73: {  	v7 =	vadd.f32 v8, v7;
	_ =	sdelay $0x1  }
0x74: {  	[tilespmem:s2+$0xFFFFFFF0] =	vst v7  }
0x75: {  	v7 =	vld [tilespmem:s20+$0x0]  }
0x76: {  	v8 =	vld [tilespmem:s19+$0x0];
	_ =	sdelay $0x1  }
0x77: {  	v9 =	vld [tilespmem:s16+$0x0];
	_ =	sdelay $0x1  }
0x78: {  	v7 =	vmul.f32 v7, v3;
	v10 =	vld [tilespmem:s0+$0x0]  }
0x79: {  	v8 =	vmul.f32 v8, v4;
	_ =	sdelay $0x1  }
0x7a: {  	v7 =	vadd.f32 v8, v7;
	v8 =	vmul.f32 v9, v5;
	_ =	sdelay $0x1  }
0x7b: {  	v7 =	vadd.f32 v8, v7;
	v8 =	vmul.f32 v10, v6;
	_ =	sdelay $0x1  }
0x7c: {  	v7 =	vadd.f32 v8, v7;
	_ =	sdelay $0x1  }
0x7d: {  	[tilespmem:s2+$0x0] =	vst v7  }
0x7e: {  	v7 =	vld [tilespmem:s20+$0x10]  }
0x7f: {  	v8 =	vld [tilespmem:s19+$0x10]  }
0x80: {  	v9 =	vld [tilespmem:s16+$0x10]  }
0x81: {  	v10 =	vld [tilespmem:s0+$0x10];
	_ =	sdelay $0x1  }
.Ltmp4:
0x82: {  	(pc) =	sbr.rel @p0 .LBB2_3-.Ltmp4, $4  }
0x83: {  	v7 =	vmul.f32 v7, v3;
	v11 =	vmul.f32 v8, v4  }
0x84: {  	v8 =	vmul.f32 v9, v5  }
0x85: {  	v9 =	vadd.f32 v11, v7  }
0x86: {  	s20 =	sadd.s32 $0x40, s20;
	s19 =	sadd.s32 $0x40, s19;
	s16 =	sadd.s32 $0x40, s16;
	v7 =	vmul.f32 v10, v6  }
0x87: {  	(v2sf) =	vpush v0, $0x4  }
0x88: {  	(v2sf) =	vpush v0, $0x8  }
0x89: {  	(v2sf) =	vpush v0, $0xC  }
0x8a: {  	(v2sf) =	vpush v2, $0x8  }
0x8b: {  	(v2sf) =	vpush v2, $0x9  }
0x8c: {  	(v2sf) =	vpush v2, $0xA  }
0x8d: {  	(v2sf) =	vpush v2, $0xB  }
0x8e: {  	(v2sf) =	vpush v2, $0xC  }
0x8f: {  	(v2sf) =	vpush v2, $0xD  }
0x90: {  	(v2sf) =	vpush v2, $0xE  }
0x91: {  	(v2sf) =	vpush v2, $0xF;
	_ =	sdelay $0x4  }
0x92: {  	s0 =	spop (v2sf)  }
0x93: {  	s29 =	spop (v2sf)  }
0x94: {  	s21 =	spop (v2sf)  }
0x95: {  	s28 =	spop (v2sf)  }
0x96: {  	s26 =	spop (v2sf)  }
0x97: {  	p0 =	sge.f32 s0, $9.999999970e-07;
	s25 =	spop (v2sf)  }
.Ltmp5:
0x98: {  	v2 =	vadd.f32 v8, v9;
	s24 =	spop (v2sf);
	(pc) =	sbr.rel @!p0 .LBB2_8-.Ltmp5, $4  }
0x99: {  	s23 =	spop (v2sf)  }
0x9a: {  	v2 =	vadd.f32 v7, v2;
	s22 =	spop (v2sf)  }
0x9b: {  	s20 =	spop (v2sf)  }
0x9c: {  	[tilespmem:s8+$0x10] =	vst v2;
	s19 =	spop (v2sf)  }
0x9d: {  	(v2sf) =	vpush v1, $0x7  }
0x9e: {  	(v2sf) =	vpush v1, $0x6  }
0x9f: {  	(v2sf) =	vpush v1, $0x5  }
0xa0: {  	(v2sf) =	vpush v1, $0x4;
	_ =	sdelay $0xb  }
0xa1: {  	s12 =	smov.u32 s30;
	s30 =	spop (v2sf)  }
0xa2: {  	s31 =	spop (v2sf)  }
0xa3: {  	s0 =	spop (v2sf)  }
0xa4: {  	s2 =	spop (v2sf)  }
0xa5: {  	s8 =	simm.s32 $0x2020;
	v3 =	vld [tilespmem:s2+$0xFFFFFFE0]  }
0xa6: {  	v4 =	vld [tilespmem:s8+$0xFFFFFFE0]  }
0xa7: {  	v5 =	vld [tilespmem:s0+$0xFFFFFFE0]  }
0xa8: {  	v1 =	vbroadcast v0, $0x4  }
0xa9: {  	v6 =	vld [tilespmem:s31+$0xFFFFFFE0]  }
0xaa: {  	v2 =	vbroadcast v0, $0x5;
	v7 =	vmul.f32 v3, v1  }
0xab: {  	v8 =	vld [tilespmem:s30+$0xFFFFFFE0]  }
0xac: {  	v5 =	vmul.f32 v5, v2;
	v3 =	vbroadcast v0, $0x6;
	v7 =	vadd.f32 v7, v4;
	_ =	sdelay $0x1  }
0xad: {  	v4 =	vbroadcast v0, $0x7;
	v6 =	vmul.f32 v6, v3;
	v5 =	vadd.f32 v5, v7;
	_ =	sdelay $0x1  }
0xae: {  	v7 =	vmul.f32 v8, v4;
	v5 =	vadd.f32 v6, v5;
	_ =	sdelay $0x1  }
0xaf: {  	v5 =	vadd.f32 v7, v5;
	_ =	sdelay $0x1  }
0xb0: {  	[tilespmem:s8+$0xFFFFFFE0] =	vst v5  }
0xb1: {  	v5 =	vld [tilespmem:s2+$0xFFFFFFF0]  }
0xb2: {  	v6 =	vld [tilespmem:s8+$0xFFFFFFF0]  }
0xb3: {  	v7 =	vld [tilespmem:s0+$0xFFFFFFF0];
	_ =	sdelay $0x1  }
0xb4: {  	v59 =	vld [tilespmem:s31+$0xFFFFFFF0]  }
0xb5: {  	v5 =	vmul.f32 v5, v1  }
0xb6: {  	v9 =	vld [tilespmem:s30+$0xFFFFFFF0]  }
0xb7: {  	v5 =	vadd.f32 v5, v6;
	v6 =	vmul.f32 v7, v2;
	_ =	sdelay $0x1  }
0xb8: {  	v5 =	vadd.f32 v6, v5;
	v6 =	vmul.f32 v59, v3;
	_ =	sdelay $0x1  }
0xb9: {  	v5 =	vadd.f32 v6, v5;
	v6 =	vmul.f32 v9, v4;
	_ =	sdelay $0x1  }
0xba: {  	v5 =	vadd.f32 v6, v5;
	_ =	sdelay $0x1  }
0xbb: {  	[tilespmem:s8+$0xFFFFFFF0] =	vst v5  }
0xbc: {  	v5 =	vld [tilespmem:s2+$0x0]  }
0xbd: {  	v6 =	vld [tilespmem:s8+$0x0]  }
0xbe: {  	v7 =	vld [tilespmem:s0+$0x0];
	_ =	sdelay $0x1  }
0xbf: {  	v60 =	vld [tilespmem:s31+$0x0]  }
0xc0: {  	v5 =	vmul.f32 v5, v1  }
0xc1: {  	v61 =	vld [tilespmem:s30+$0x0]  }
0xc2: {  	v5 =	vadd.f32 v5, v6;
	v6 =	vmul.f32 v7, v2;
	_ =	sdelay $0x1  }
0xc3: {  	v5 =	vadd.f32 v6, v5;
	v6 =	vmul.f32 v60, v3;
	_ =	sdelay $0x1  }
0xc4: {  	v5 =	vadd.f32 v6, v5;
	v6 =	vmul.f32 v61, v4;
	_ =	sdelay $0x1  }
0xc5: {  	v5 =	vadd.f32 v6, v5;
	_ =	sdelay $0x1  }
0xc6: {  	[tilespmem:s8+$0x0] =	vst v5  }
0xc7: {  	v5 =	vld [tilespmem:s2+$0x10]  }
0xc8: {  	v6 =	vld [tilespmem:s8+$0x10]  }
0xc9: {  	v7 =	vld [tilespmem:s0+$0x10];
	_ =	sdelay $0x1  }
0xca: {  	v62 =	vld [tilespmem:s31+$0x10]  }
0xcb: {  	v5 =	vmul.f32 v5, v1  }
0xcc: {  	v63 =	vld [tilespmem:s30+$0x10]  }
0xcd: {  	v5 =	vadd.f32 v5, v6;
	v6 =	vmul.f32 v7, v2;
	_ =	sdelay $0x1  }
0xce: {  	v5 =	vadd.f32 v6, v5;
	v6 =	vmul.f32 v62, v3;
	_ =	sdelay $0x1  }
0xcf: {  	v5 =	vadd.f32 v6, v5;
	v6 =	vmul.f32 v63, v4;
	_ =	sdelay $0x1  }
0xd0: {  	v5 =	vadd.f32 v6, v5  }
0xd1: {  	s16 =	simm.s32 $0x0;
	s1 =	simm.s32 $0x2060  }
.LBB2_6:
0xd2: {  	v6 =	vld [tilespmem:s1+$0xFFFFFFE0];
	[tilespmem:s8+$0x10] =	vst v5;
	s2 =	sadd.s32 $0x40, s2;
	s8 =	smov.u32 s1  }
0xd3: {  	s16 =	sadd.s32 $0x4, s16;
	s0 =	sadd.s32 $0x40, s0;
	v5 =	vld [tilespmem:s2+$0xFFFFFFE0]  }
0xd4: {  	s31 =	sadd.s32 $0x40, s31;
	p0 =	slt.u32 s16, $0xFC;
	v7 =	vld [tilespmem:s0+$0xFFFFFFE0]  }
0xd5: {  	s30 =	sadd.s32 $0x40, s30;
	v8 =	vld [tilespmem:s31+$0xFFFFFFE0]  }
0xd6: {  	v9 =	vld [tilespmem:s30+$0xFFFFFFE0];
	_ =	sdelay $0x1  }
0xd7: {  	v5 =	vmul.f32 v5, v1;
	_ =	sdelay $0x1  }
0xd8: {  	v5 =	vadd.f32 v5, v6;
	v6 =	vmul.f32 v7, v2  }
0xd9: {  	v7 =	vmul.f32 v9, v4  }
0xda: {  	v5 =	vadd.f32 v6, v5;
	v6 =	vmul.f32 v8, v3;
	_ =	sdelay $0x1  }
0xdb: {  	v5 =	vadd.f32 v6, v5;
	_ =	sdelay $0x1  }
0xdc: {  	v5 =	vadd.f32 v7, v5;
	_ =	sdelay $0x1  }
0xdd: {  	[tilespmem:s1+$0xFFFFFFE0] =	vst v5  }
0xde: {  	v5 =	vld [tilespmem:s2+$0xFFFFFFF0]  }
0xdf: {  	v6 =	vld [tilespmem:s1+$0xFFFFFFF0]  }
0xe0: {  	v7 =	vld [tilespmem:s0+$0xFFFFFFF0];
	_ =	sdelay $0x1  }
0xe1: {  	v8 =	vld [tilespmem:s31+$0xFFFFFFF0]  }
0xe2: {  	v5 =	vmul.f32 v5, v1  }
0xe3: {  	v9 =	vld [tilespmem:s30+$0xFFFFFFF0]  }
0xe4: {  	v5 =	vadd.f32 v5, v6;
	v6 =	vmul.f32 v7, v2;
	_ =	sdelay $0x1  }
0xe5: {  	v5 =	vadd.f32 v6, v5;
	v6 =	vmul.f32 v8, v3;
	_ =	sdelay $0x1  }
0xe6: {  	v5 =	vadd.f32 v6, v5;
	v6 =	vmul.f32 v9, v4;
	_ =	sdelay $0x1  }
0xe7: {  	v5 =	vadd.f32 v6, v5;
	_ =	sdelay $0x1  }
0xe8: {  	[tilespmem:s1+$0xFFFFFFF0] =	vst v5  }
0xe9: {  	v5 =	vld [tilespmem:s2+$0x0]  }
0xea: {  	v6 =	vld [tilespmem:s1+$0x0]  }
0xeb: {  	v7 =	vld [tilespmem:s0+$0x0];
	_ =	sdelay $0x1  }
0xec: {  	v8 =	vld [tilespmem:s31+$0x0]  }
0xed: {  	v5 =	vmul.f32 v5, v1  }
0xee: {  	v9 =	vld [tilespmem:s30+$0x0]  }
0xef: {  	v5 =	vadd.f32 v5, v6;
	v6 =	vmul.f32 v7, v2;
	_ =	sdelay $0x1  }
0xf0: {  	v5 =	vadd.f32 v6, v5;
	v6 =	vmul.f32 v8, v3;
	_ =	sdelay $0x1  }
0xf1: {  	v5 =	vadd.f32 v6, v5;
	v6 =	vmul.f32 v9, v4;
	_ =	sdelay $0x1  }
0xf2: {  	v5 =	vadd.f32 v6, v5;
	_ =	sdelay $0x1  }
0xf3: {  	[tilespmem:s1+$0x0] =	vst v5;
	v5 =	vld [tilespmem:s1+$0x10]  }
0xf4: {  	v6 =	vld [tilespmem:s2+$0x10]  }
0xf5: {  	v7 =	vld [tilespmem:s0+$0x10]  }
0xf6: {  	v8 =	vld [tilespmem:s31+$0x10]  }
0xf7: {  	v9 =	vld [tilespmem:s30+$0x10];
	_ =	sdelay $0x1  }
0xf8: {  	v6 =	vmul.f32 v6, v1;
	_ =	sdelay $0x1  }
0xf9: {  	v5 =	vadd.f32 v6, v5;
	v6 =	vmul.f32 v7, v2;
	_ =	sdelay $0x1  }
0xfa: {  	v5 =	vadd.f32 v6, v5;
	v6 =	vmul.f32 v8, v3  }
.Ltmp6:
0xfb: {  	(pc) =	sbr.rel @p0 .LBB2_6-.Ltmp6, $3  }
0xfc: {  	v5 =	vadd.f32 v6, v5;
	v6 =	vmul.f32 v9, v4;
	_ =	sdelay $0x1  }
0xfd: {  	v5 =	vadd.f32 v6, v5  }
0xfe: {  	s1 =	sadd.s32 $0x40, s1  }
0xff: {  	[tilespmem:s8+$0x10] =	vst v5;
	s30 =	smov.u32 s12;
	s12 =	simm.s32 $0x1000  }
.LBB2_8:
0x100: {  	p0 =	sge.f32 s29, $9.999999970e-07  }
.Ltmp7:
0x101: {  	_ = 	snop;
	(pc) =	sbr.rel @!p0 .LBB2_12-.Ltmp7, $1  }
0x102: {  	_ =	sdelay $0x3  }
0x103: {  	s0 =	sshll.u32 s28, $0x2  }
0x104: {  	s0 =	sshra.s32 s0, $0x2  }
0x105: {  	s1 =	sshll.u32 s26, $0x2;
	s26 =	sadd.s32 $0x20, s0  }
0x106: {  	s28 =	simm.s32 $0x2020;
	s8 =	sshra.s32 s1, $0x2;
	v3 =	vld [tilespmem:s26+$0xFFFFFFE0]  }
0x107: {  	s16 =	sshll.u32 s25, $0x2;
	v4 =	vld [tilespmem:s28+$0xFFFFFFE0];
	s25 =	sadd.s32 $0x20, s8  }
0x108: {  	s29 =	sshra.s32 s16, $0x2;
	v5 =	vld [tilespmem:s25+$0xFFFFFFE0]  }
0x109: {  	v1 =	vbroadcast v0, $0x8;
	s31 =	sshll.u32 s24, $0x2;
	s0 =	sadd.s32 $0x20, s29  }
0x10a: {  	s1 =	sshra.s32 s31, $0x2;
	v6 =	vld [tilespmem:s0+$0xFFFFFFE0]  }
0x10b: {  	v2 =	vbroadcast v0, $0x9;
	s2 =	sadd.s32 $0x20, s1;
	v7 =	vmul.f32 v3, v1  }
0x10c: {  	v8 =	vld [tilespmem:s2+$0xFFFFFFE0]  }
0x10d: {  	v3 =	vbroadcast v0, $0xA;
	v5 =	vmul.f32 v5, v2;
	v7 =	vadd.f32 v7, v4;
	_ =	sdelay $0x1  }
0x10e: {  	v4 =	vbroadcast v0, $0xB;
	v6 =	vmul.f32 v6, v3;
	v5 =	vadd.f32 v5, v7;
	_ =	sdelay $0x1  }
0x10f: {  	v7 =	vmul.f32 v8, v4;
	v5 =	vadd.f32 v6, v5;
	_ =	sdelay $0x1  }
0x110: {  	v5 =	vadd.f32 v7, v5;
	_ =	sdelay $0x1  }
0x111: {  	[tilespmem:s28+$0xFFFFFFE0] =	vst v5  }
0x112: {  	v5 =	vld [tilespmem:s26+$0xFFFFFFF0]  }
0x113: {  	v6 =	vld [tilespmem:s28+$0xFFFFFFF0]  }
0x114: {  	v7 =	vld [tilespmem:s25+$0xFFFFFFF0];
	_ =	sdelay $0x1  }
0x115: {  	v59 =	vld [tilespmem:s0+$0xFFFFFFF0]  }
0x116: {  	v5 =	vmul.f32 v5, v1  }
0x117: {  	v9 =	vld [tilespmem:s2+$0xFFFFFFF0]  }
0x118: {  	v5 =	vadd.f32 v5, v6;
	v6 =	vmul.f32 v7, v2;
	_ =	sdelay $0x1  }
0x119: {  	v5 =	vadd.f32 v6, v5;
	v6 =	vmul.f32 v59, v3;
	_ =	sdelay $0x1  }
0x11a: {  	v5 =	vadd.f32 v6, v5;
	v6 =	vmul.f32 v9, v4;
	_ =	sdelay $0x1  }
0x11b: {  	v5 =	vadd.f32 v6, v5;
	_ =	sdelay $0x1  }
0x11c: {  	[tilespmem:s28+$0xFFFFFFF0] =	vst v5  }
0x11d: {  	v5 =	vld [tilespmem:s26+$0x0]  }
0x11e: {  	v6 =	vld [tilespmem:s28+$0x0]  }
0x11f: {  	v7 =	vld [tilespmem:s25+$0x0];
	_ =	sdelay $0x1  }
0x120: {  	v60 =	vld [tilespmem:s0+$0x0]  }
0x121: {  	v5 =	vmul.f32 v5, v1  }
0x122: {  	v61 =	vld [tilespmem:s2+$0x0]  }
0x123: {  	v5 =	vadd.f32 v5, v6;
	v6 =	vmul.f32 v7, v2;
	_ =	sdelay $0x1  }
0x124: {  	v5 =	vadd.f32 v6, v5;
	v6 =	vmul.f32 v60, v3;
	_ =	sdelay $0x1  }
0x125: {  	v5 =	vadd.f32 v6, v5;
	v6 =	vmul.f32 v61, v4;
	_ =	sdelay $0x1  }
0x126: {  	v5 =	vadd.f32 v6, v5;
	_ =	sdelay $0x1  }
0x127: {  	[tilespmem:s28+$0x0] =	vst v5  }
0x128: {  	v5 =	vld [tilespmem:s26+$0x10]  }
0x129: {  	v6 =	vld [tilespmem:s28+$0x10]  }
0x12a: {  	v7 =	vld [tilespmem:s25+$0x10];
	_ =	sdelay $0x1  }
0x12b: {  	v62 =	vld [tilespmem:s0+$0x10]  }
0x12c: {  	v5 =	vmul.f32 v5, v1  }
0x12d: {  	v63 =	vld [tilespmem:s2+$0x10]  }
0x12e: {  	v5 =	vadd.f32 v5, v6;
	v6 =	vmul.f32 v7, v2;
	_ =	sdelay $0x1  }
0x12f: {  	v5 =	vadd.f32 v6, v5;
	v6 =	vmul.f32 v62, v3;
	_ =	sdelay $0x1  }
0x130: {  	v5 =	vadd.f32 v6, v5;
	v6 =	vmul.f32 v63, v4;
	_ =	sdelay $0x1  }
0x131: {  	v5 =	vadd.f32 v6, v5  }
0x132: {  	s8 =	simm.s32 $0x0;
	s1 =	simm.s32 $0x2060  }
.LBB2_10:
0x133: {  	v6 =	vld [tilespmem:s1+$0xFFFFFFE0];
	[tilespmem:s28+$0x10] =	vst v5;
	s26 =	sadd.s32 $0x40, s26;
	s28 =	smov.u32 s1  }
0x134: {  	s8 =	sadd.s32 $0x4, s8;
	s25 =	sadd.s32 $0x40, s25;
	v5 =	vld [tilespmem:s26+$0xFFFFFFE0]  }
0x135: {  	s0 =	sadd.s32 $0x40, s0;
	p0 =	slt.u32 s8, $0xFC;
	v7 =	vld [tilespmem:s25+$0xFFFFFFE0]  }
0x136: {  	s2 =	sadd.s32 $0x40, s2;
	v8 =	vld [tilespmem:s0+$0xFFFFFFE0]  }
0x137: {  	v9 =	vld [tilespmem:s2+$0xFFFFFFE0];
	_ =	sdelay $0x1  }
0x138: {  	v5 =	vmul.f32 v5, v1;
	_ =	sdelay $0x1  }
0x139: {  	v5 =	vadd.f32 v5, v6;
	v6 =	vmul.f32 v7, v2  }
0x13a: {  	v7 =	vmul.f32 v9, v4  }
0x13b: {  	v5 =	vadd.f32 v6, v5;
	v6 =	vmul.f32 v8, v3;
	_ =	sdelay $0x1  }
0x13c: {  	v5 =	vadd.f32 v6, v5;
	_ =	sdelay $0x1  }
0x13d: {  	v5 =	vadd.f32 v7, v5;
	_ =	sdelay $0x1  }
0x13e: {  	[tilespmem:s1+$0xFFFFFFE0] =	vst v5  }
0x13f: {  	v5 =	vld [tilespmem:s26+$0xFFFFFFF0]  }
0x140: {  	v6 =	vld [tilespmem:s1+$0xFFFFFFF0]  }
0x141: {  	v7 =	vld [tilespmem:s25+$0xFFFFFFF0];
	_ =	sdelay $0x1  }
0x142: {  	v8 =	vld [tilespmem:s0+$0xFFFFFFF0]  }
0x143: {  	v5 =	vmul.f32 v5, v1  }
0x144: {  	v9 =	vld [tilespmem:s2+$0xFFFFFFF0]  }
0x145: {  	v5 =	vadd.f32 v5, v6;
	v6 =	vmul.f32 v7, v2;
	_ =	sdelay $0x1  }
0x146: {  	v5 =	vadd.f32 v6, v5;
	v6 =	vmul.f32 v8, v3;
	_ =	sdelay $0x1  }
0x147: {  	v5 =	vadd.f32 v6, v5;
	v6 =	vmul.f32 v9, v4;
	_ =	sdelay $0x1  }
0x148: {  	v5 =	vadd.f32 v6, v5;
	_ =	sdelay $0x1  }
0x149: {  	[tilespmem:s1+$0xFFFFFFF0] =	vst v5  }
0x14a: {  	v5 =	vld [tilespmem:s26+$0x0]  }
0x14b: {  	v6 =	vld [tilespmem:s1+$0x0]  }
0x14c: {  	v7 =	vld [tilespmem:s25+$0x0];
	_ =	sdelay $0x1  }
0x14d: {  	v8 =	vld [tilespmem:s0+$0x0]  }
0x14e: {  	v5 =	vmul.f32 v5, v1  }
0x14f: {  	v9 =	vld [tilespmem:s2+$0x0]  }
0x150: {  	v5 =	vadd.f32 v5, v6;
	v6 =	vmul.f32 v7, v2;
	_ =	sdelay $0x1  }
0x151: {  	v5 =	vadd.f32 v6, v5;
	v6 =	vmul.f32 v8, v3;
	_ =	sdelay $0x1  }
0x152: {  	v5 =	vadd.f32 v6, v5;
	v6 =	vmul.f32 v9, v4;
	_ =	sdelay $0x1  }
0x153: {  	v5 =	vadd.f32 v6, v5;
	_ =	sdelay $0x1  }
0x154: {  	[tilespmem:s1+$0x0] =	vst v5;
	v5 =	vld [tilespmem:s1+$0x10]  }
0x155: {  	v6 =	vld [tilespmem:s26+$0x10]  }
0x156: {  	v7 =	vld [tilespmem:s25+$0x10]  }
0x157: {  	v8 =	vld [tilespmem:s0+$0x10]  }
0x158: {  	v9 =	vld [tilespmem:s2+$0x10];
	_ =	sdelay $0x1  }
0x159: {  	v6 =	vmul.f32 v6, v1;
	_ =	sdelay $0x1  }
0x15a: {  	v5 =	vadd.f32 v6, v5;
	v6 =	vmul.f32 v7, v2;
	_ =	sdelay $0x1  }
0x15b: {  	v5 =	vadd.f32 v6, v5;
	v6 =	vmul.f32 v8, v3  }
.Ltmp8:
0x15c: {  	(pc) =	sbr.rel @p0 .LBB2_10-.Ltmp8, $3  }
0x15d: {  	v5 =	vadd.f32 v6, v5;
	v6 =	vmul.f32 v9, v4;
	_ =	sdelay $0x1  }
0x15e: {  	v5 =	vadd.f32 v6, v5  }
0x15f: {  	s1 =	sadd.s32 $0x40, s1  }
0x160: {  	[tilespmem:s28+$0x10] =	vst v5  }
.LBB2_12:
0x161: {  	p0 =	sge.f32 s21, $9.999999970e-07  }
.Ltmp9:
0x162: {  	_ = 	snop;
	(pc) =	sbr.rel @!p0 .LBB2_16-.Ltmp9, $1  }
0x163: {  	_ =	sdelay $0x3  }
0x164: {  	s0 =	sshll.u32 s23, $0x2  }
0x165: {  	s0 =	sshra.s32 s0, $0x2  }
0x166: {  	s1 =	sshll.u32 s22, $0x2;
	s21 =	sadd.s32 $0x20, s0  }
0x167: {  	s22 =	simm.s32 $0x2020;
	s26 =	sshra.s32 s1, $0x2;
	v3 =	vld [tilespmem:s21+$0xFFFFFFE0]  }
0x168: {  	s28 =	sshll.u32 s20, $0x2;
	v4 =	vld [tilespmem:s22+$0xFFFFFFE0];
	s20 =	sadd.s32 $0x20, s26  }
0x169: {  	s29 =	sshra.s32 s28, $0x2;
	v5 =	vld [tilespmem:s20+$0xFFFFFFE0]  }
0x16a: {  	v1 =	vbroadcast v0, $0xC;
	s31 =	sshll.u32 s19, $0x2;
	s0 =	sadd.s32 $0x20, s29  }
0x16b: {  	s1 =	sshra.s32 s31, $0x2;
	v6 =	vld [tilespmem:s0+$0xFFFFFFE0]  }
0x16c: {  	v2 =	vbroadcast v0, $0xD;
	s2 =	sadd.s32 $0x20, s1;
	v7 =	vmul.f32 v3, v1  }
0x16d: {  	v8 =	vld [tilespmem:s2+$0xFFFFFFE0]  }
0x16e: {  	v3 =	vbroadcast v0, $0xE;
	v5 =	vmul.f32 v5, v2;
	v4 =	vadd.f32 v7, v4;
	_ =	sdelay $0x1  }
0x16f: {  	v0 =	vbroadcast v0, $0xF;
	v4 =	vadd.f32 v5, v4;
	v5 =	vmul.f32 v6, v3;
	_ =	sdelay $0x1  }
0x170: {  	v6 =	vmul.f32 v8, v0;
	v4 =	vadd.f32 v5, v4;
	_ =	sdelay $0x1  }
0x171: {  	v4 =	vadd.f32 v6, v4;
	_ =	sdelay $0x1  }
0x172: {  	[tilespmem:s22+$0xFFFFFFE0] =	vst v4  }
0x173: {  	v4 =	vld [tilespmem:s21+$0xFFFFFFF0]  }
0x174: {  	v5 =	vld [tilespmem:s22+$0xFFFFFFF0]  }
0x175: {  	v6 =	vld [tilespmem:s20+$0xFFFFFFF0];
	_ =	sdelay $0x1  }
0x176: {  	v7 =	vld [tilespmem:s0+$0xFFFFFFF0]  }
0x177: {  	v4 =	vmul.f32 v4, v1  }
0x178: {  	v61 =	vld [tilespmem:s2+$0xFFFFFFF0]  }
0x179: {  	v4 =	vadd.f32 v4, v5;
	v5 =	vmul.f32 v6, v2;
	_ =	sdelay $0x1  }
0x17a: {  	v4 =	vadd.f32 v5, v4;
	v5 =	vmul.f32 v7, v3;
	_ =	sdelay $0x1  }
0x17b: {  	v4 =	vadd.f32 v5, v4;
	v5 =	vmul.f32 v61, v0;
	_ =	sdelay $0x1  }
0x17c: {  	v4 =	vadd.f32 v5, v4;
	_ =	sdelay $0x1  }
0x17d: {  	[tilespmem:s22+$0xFFFFFFF0] =	vst v4  }
0x17e: {  	v4 =	vld [tilespmem:s21+$0x0]  }
0x17f: {  	v5 =	vld [tilespmem:s22+$0x0]  }
0x180: {  	v6 =	vld [tilespmem:s20+$0x0];
	_ =	sdelay $0x1  }
0x181: {  	v7 =	vld [tilespmem:s0+$0x0]  }
0x182: {  	v4 =	vmul.f32 v4, v1  }
0x183: {  	v62 =	vld [tilespmem:s2+$0x0]  }
0x184: {  	v4 =	vadd.f32 v4, v5;
	v5 =	vmul.f32 v6, v2;
	_ =	sdelay $0x1  }
0x185: {  	v4 =	vadd.f32 v5, v4;
	v5 =	vmul.f32 v7, v3;
	_ =	sdelay $0x1  }
0x186: {  	v4 =	vadd.f32 v5, v4;
	v5 =	vmul.f32 v62, v0;
	_ =	sdelay $0x1  }
0x187: {  	v4 =	vadd.f32 v5, v4;
	_ =	sdelay $0x1  }
0x188: {  	[tilespmem:s22+$0x0] =	vst v4  }
0x189: {  	v4 =	vld [tilespmem:s21+$0x10]  }
0x18a: {  	v5 =	vld [tilespmem:s22+$0x10]  }
0x18b: {  	v6 =	vld [tilespmem:s20+$0x10];
	_ =	sdelay $0x1  }
0x18c: {  	v7 =	vld [tilespmem:s0+$0x10]  }
0x18d: {  	v4 =	vmul.f32 v4, v1  }
0x18e: {  	v63 =	vld [tilespmem:s2+$0x10]  }
0x18f: {  	v4 =	vadd.f32 v4, v5;
	v5 =	vmul.f32 v6, v2;
	_ =	sdelay $0x1  }
0x190: {  	v4 =	vadd.f32 v5, v4;
	v5 =	vmul.f32 v7, v3;
	_ =	sdelay $0x1  }
0x191: {  	v4 =	vadd.f32 v5, v4;
	v5 =	vmul.f32 v63, v0;
	_ =	sdelay $0x1  }
0x192: {  	v4 =	vadd.f32 v5, v4  }
0x193: {  	s8 =	simm.s32 $0x0;
	s1 =	simm.s32 $0x2060  }
.LBB2_14:
0x194: {  	v5 =	vld [tilespmem:s1+$0xFFFFFFE0];
	[tilespmem:s22+$0x10] =	vst v4;
	s21 =	sadd.s32 $0x40, s21;
	s22 =	smov.u32 s1  }
0x195: {  	s8 =	sadd.s32 $0x4, s8;
	s20 =	sadd.s32 $0x40, s20;
	v4 =	vld [tilespmem:s21+$0xFFFFFFE0]  }
0x196: {  	s0 =	sadd.s32 $0x40, s0;
	p0 =	slt.u32 s8, $0xFC;
	v6 =	vld [tilespmem:s20+$0xFFFFFFE0]  }
0x197: {  	s2 =	sadd.s32 $0x40, s2;
	v7 =	vld [tilespmem:s0+$0xFFFFFFE0]  }
0x198: {  	v8 =	vld [tilespmem:s2+$0xFFFFFFE0];
	_ =	sdelay $0x1  }
0x199: {  	v4 =	vmul.f32 v4, v1;
	_ =	sdelay $0x1  }
0x19a: {  	v4 =	vadd.f32 v4, v5;
	v5 =	vmul.f32 v6, v2  }
0x19b: {  	v6 =	vmul.f32 v8, v0  }
0x19c: {  	v4 =	vadd.f32 v5, v4;
	v5 =	vmul.f32 v7, v3;
	_ =	sdelay $0x1  }
0x19d: {  	v4 =	vadd.f32 v5, v4;
	_ =	sdelay $0x1  }
0x19e: {  	v4 =	vadd.f32 v6, v4;
	_ =	sdelay $0x1  }
0x19f: {  	[tilespmem:s1+$0xFFFFFFE0] =	vst v4  }
0x1a0: {  	v4 =	vld [tilespmem:s21+$0xFFFFFFF0]  }
0x1a1: {  	v5 =	vld [tilespmem:s1+$0xFFFFFFF0]  }
0x1a2: {  	v6 =	vld [tilespmem:s20+$0xFFFFFFF0];
	_ =	sdelay $0x1  }
0x1a3: {  	v7 =	vld [tilespmem:s0+$0xFFFFFFF0]  }
0x1a4: {  	v4 =	vmul.f32 v4, v1  }
0x1a5: {  	v8 =	vld [tilespmem:s2+$0xFFFFFFF0]  }
0x1a6: {  	v4 =	vadd.f32 v4, v5;
	v5 =	vmul.f32 v6, v2;
	_ =	sdelay $0x1  }
0x1a7: {  	v4 =	vadd.f32 v5, v4;
	v5 =	vmul.f32 v7, v3;
	_ =	sdelay $0x1  }
0x1a8: {  	v4 =	vadd.f32 v5, v4;
	v5 =	vmul.f32 v8, v0;
	_ =	sdelay $0x1  }
0x1a9: {  	v4 =	vadd.f32 v5, v4;
	_ =	sdelay $0x1  }
0x1aa: {  	[tilespmem:s1+$0xFFFFFFF0] =	vst v4  }
0x1ab: {  	v4 =	vld [tilespmem:s21+$0x0]  }
0x1ac: {  	v5 =	vld [tilespmem:s1+$0x0]  }
0x1ad: {  	v6 =	vld [tilespmem:s20+$0x0];
	_ =	sdelay $0x1  }
0x1ae: {  	v7 =	vld [tilespmem:s0+$0x0]  }
0x1af: {  	v4 =	vmul.f32 v4, v1  }
0x1b0: {  	v8 =	vld [tilespmem:s2+$0x0]  }
0x1b1: {  	v4 =	vadd.f32 v4, v5;
	v5 =	vmul.f32 v6, v2;
	_ =	sdelay $0x1  }
0x1b2: {  	v4 =	vadd.f32 v5, v4;
	v5 =	vmul.f32 v7, v3;
	_ =	sdelay $0x1  }
0x1b3: {  	v4 =	vadd.f32 v5, v4;
	v5 =	vmul.f32 v8, v0;
	_ =	sdelay $0x1  }
0x1b4: {  	v4 =	vadd.f32 v5, v4;
	_ =	sdelay $0x1  }
0x1b5: {  	[tilespmem:s1+$0x0] =	vst v4;
	v4 =	vld [tilespmem:s1+$0x10]  }
0x1b6: {  	v5 =	vld [tilespmem:s21+$0x10]  }
0x1b7: {  	v6 =	vld [tilespmem:s20+$0x10]  }
0x1b8: {  	v7 =	vld [tilespmem:s0+$0x10]  }
0x1b9: {  	v8 =	vld [tilespmem:s2+$0x10];
	_ =	sdelay $0x1  }
0x1ba: {  	v5 =	vmul.f32 v5, v1;
	_ =	sdelay $0x1  }
0x1bb: {  	v4 =	vadd.f32 v5, v4;
	v5 =	vmul.f32 v6, v2;
	_ =	sdelay $0x1  }
0x1bc: {  	v4 =	vadd.f32 v5, v4;
	v5 =	vmul.f32 v7, v3  }
.Ltmp10:
0x1bd: {  	(pc) =	sbr.rel @p0 .LBB2_14-.Ltmp10, $3  }
0x1be: {  	v4 =	vadd.f32 v5, v4;
	v5 =	vmul.f32 v8, v0;
	_ =	sdelay $0x1  }
0x1bf: {  	v4 =	vadd.f32 v5, v4  }
0x1c0: {  	s1 =	sadd.s32 $0x40, s1  }
.Ltmp11:
0x1c1: {  	(pc) =	sbr.rel .LBB2_16-.Ltmp11, $2  }
0x1c2: {  	_ =	sdelay $0x2  }
0x1c3: {  	[tilespmem:s22+$0x10] =	vst v4  }
.LBB2_18:
0x1c4: {  	_ =	sfence.sel $0x180000  }
0x1c5: {  	[bflag:$0x0] =	sbarrier.arrive $0xFFFF  }
0x1c6: {  	_ =	strace $0x90000047  }
0x1c7: {  	s0 =	stileid.u32;
	[bflag:$0x2] =	sbarrier.arrive $0xFFFF  }
0x1c8: {  	p0 =	sne.s32 s0, $0x0;
	s0 =	rddreg [dreg:$0x2]  }
0x1c9: {  	s0 =	sadd.s32 @!p0 $0x100000, s0  }
0x1ca: {  	[sflag:s0] =	ssyncadd.tile.s32 @!p0 $0x1;
	_ =	shalt  }
.Lfunc_end2:
_tile_overlayer_lowered:
.L_overlay_start_2:
0x1cb: {  	(tag) =	ssettag $0x2  }
0x1cc: {  	s0 =	rddreg [dreg:$0x0];
	s2 =	stileid.u32  }
0x1cd: {  	s1 =	rddreg [dreg:$0x1];
	p0 =	sne.s32 s2, $0x0  }
0x1ce: {  	s3 =	rddreg [dreg:$0x2];
	[bflag:$0x3] =	sbarrier.arrive $0xFFFF;
	s2 =	simm.s32 @!p0 $0x1C01  }
0x1cf: {  	[timem:s3], [sflag:s2] =	dma.local @!p0 [hbm:s0], s1  }
0x1d0: {  	s0 =	simm.s32 @!p0 $0x1  }
0x1d1: {  	_ =	swait.ge @!p0 [sflag:s0], s1  }
0x1d2: {  	s1 =	ssub.s32 @!p0 $0x0, s1;
	[sflag:s0] =	ssyncset.done @!p0 $0x0  }
0x1d3: {  	[sflag:s0] =	ssyncadd.s32 @!p0 s1  }
0x1d4: {  	[bflag:$0x3] =	sbarrier.arrive $0xFFFF  }
0x1d5: {  	_ =	shalt  }

</sc_bundles>
